<compile_context>
chip_gen: v7x
topology: tpu7x:2x2x1
jax: 0.10.2.dev20260603
libtpu: 0.0.44.dev20260713+nightly
codegen_flags: <defaults>
</compile_context>

<pallas_src>
import functools

import jax
import jax.numpy as jnp
from jax import lax
from jax.experimental import pallas as pl
from jax.experimental.pallas import tpu as pltpu
from jax.experimental.pallas import tpu_sc as plsc

TOKENS = 8192
EMB = 2048
E = 16
BEST_K = 2
BLK = 1024

NC = 2
NS = 16
NW = NC * NS
TPW = TOKENS // NW


def _logits_t_kernel(wb_ref, x_ref, bb_ref, out_ref):
    out_ref[...] = lax.dot_general(
        wb_ref[...], x_ref[...],
        dimension_numbers=(((1,), (1,)), ((), ())),
        preferred_element_type=jnp.float32) + bb_ref[...]


def _tc_logits_t(x, wb, bbc):
    return pl.pallas_call(
        _logits_t_kernel,
        grid=(TOKENS // BLK,),
        in_specs=[
            pl.BlockSpec((E, EMB), lambda i: (0, 0)),
            pl.BlockSpec((BLK, EMB), lambda i: (i, 0)),
            pl.BlockSpec((E, 1), lambda i: (0, 0)),
        ],
        out_specs=pl.BlockSpec((E, BLK), lambda i: (0, i)),
        out_shape=jax.ShapeDtypeStruct((E, TOKENS), jnp.float32),
    )(wb, x, bbc)


def _sc_router(lg_t):
    mesh = plsc.VectorSubcoreMesh(core_axis_name="c", subcore_axis_name="s",
                                  num_cores=NC)

    @functools.partial(
        pl.kernel,
        mesh=mesh,
        out_type=[
            jax.ShapeDtypeStruct((TOKENS * E,), jnp.float32),
            jax.ShapeDtypeStruct((TOKENS * BEST_K,), jnp.int32),
        ],
        scratch_types=[
            pltpu.VMEM((E, TPW), jnp.float32),
            pltpu.VMEM((TPW * E,), jnp.float32),
            pltpu.VMEM((TPW * BEST_K,), jnp.int32),
            pltpu.SemaphoreType.DMA,
            pltpu.SemaphoreType.DMA,
        ],
    )
    def k(lg_hbm, out_hbm, idx_hbm, lg_v, out_v, idx_v, sem_o, sem_i):
        wid = lax.axis_index("s") * NC + lax.axis_index("c")
        pltpu.sync_copy(lg_hbm.at[:, pl.ds(wid * TPW, TPW)], lg_v)
        lane = lax.iota(jnp.int32, E)

        def gat(t, idx):
            return t.at[idx].get(mode="promise_in_bounds")

        def transpose16(vs):
            for s in (1, 2, 4, 8):
                keep = (lane & s) == 0
                new = list(vs)
                for i in range(E):
                    if i & s == 0:
                        a, b = vs[i], vs[i | s]
                        new[i] = jnp.where(keep, a, gat(b, lane ^ s))
                        new[i | s] = jnp.where(keep, gat(a, lane ^ s), b)
                vs = new
            return vs

        def tile_body(g, _):
            t0 = lg_v[0, pl.ds(g * E, E)]
            m1 = t0
            i1 = jnp.zeros((E,), jnp.int32)
            m2 = jnp.full((E,), -jnp.inf)
            i2 = jnp.zeros((E,), jnp.int32)
            for e in range(1, E):
                te = lg_v[e, pl.ds(g * E, E)]
                c1 = te > m1
                c2 = te > m2
                m2 = jnp.where(c1, m1, jnp.where(c2, te, m2))
                i2 = jnp.where(c1, i1, jnp.where(c2, e, i2))
                m1 = jnp.where(c1, te, m1)
                i1 = jnp.where(c1, e, i1)
            e2 = jnp.exp(m2 - m1)
            rden = 1.0 / (1.0 + e2)
            p1 = rden
            p2 = e2 * rden
            rows_t = [jnp.where(i1 == e, p1,
                                jnp.where(i2 == e, p2, 0.0))
                      for e in range(E)]
            rows = transpose16(rows_t)
            for t in range(E):
                out_v[pl.ds((g * E + t) * E, E)] = rows[t]
            half = lane >> 1
            even = (lane & 1) == 0
            lo = jnp.where(even, gat(i1, half), gat(i2, half))
            hi = jnp.where(even, gat(i1, 8 + half), gat(i2, 8 + half))
            idx_v[pl.ds(g * 2 * E, E)] = lo
            idx_v[pl.ds((g * 2 + 1) * E, E)] = hi
            return _

        lax.fori_loop(0, TPW // E, tile_body, None)
        co = pltpu.async_copy(
            out_v, out_hbm.at[pl.ds(wid * (TPW * E), TPW * E)], sem_o)
        ci = pltpu.async_copy(
            idx_v, idx_hbm.at[pl.ds(wid * (TPW * BEST_K), TPW * BEST_K)],
            sem_i)
        co.wait()
        ci.wait()

    return k(lg_t)


@jax.jit
def kernel(x, Wb, bb, Wn, bn):
    del Wn, bn
    lg_t = _tc_logits_t(x, Wb, bb.reshape(E, 1))
    out_flat, idx_flat = _sc_router(lg_t)
    return (out_flat.reshape(TOKENS, E), idx_flat.reshape(TOKENS, BEST_K))

# --- scband reference (transcript-rebuilt; emitter-appended) ---
"""Pipeline reference for scband-noise-best-krouter-73753178407349 (READ-ONLY COPY).

The authoritative reference and input builder live on the scoring server;
editing this copy changes nothing except your own understanding.
"""

import jax, jax.numpy as jnp
import numpy as np

TOKENS = 8192
EMB = 2048
E = 16
BEST_K = 2

def setup_inputs(seed: int = 0) -> dict:
    key = jax.random.key(seed)
    k1, k2, k3, k4, k5 = jax.random.split(key, 5)
    x = jax.random.normal(k1, (TOKENS, EMB), dtype=jnp.float32)
    s = 1.0 / np.sqrt(EMB)
    Wb = jax.random.uniform(k2, (E, EMB), minval=-s, maxval=s, dtype=jnp.float32)
    bb = jax.random.uniform(k3, (E,), minval=-s, maxval=s, dtype=jnp.float32)
    Wn = jax.random.uniform(k4, (E, EMB), minval=-s, maxval=s, dtype=jnp.float32)
    bn = jax.random.uniform(k5, (E,), minval=-s, maxval=s, dtype=jnp.float32)
    return {"x": x, "Wb": Wb, "bb": bb, "Wn": Wn, "bn": bn}

def reference(x, Wb, bb, Wn, bn):
    # eval-mode forward (self.training == False): noise branch not added
    logits = x @ Wb.T + bb
    noise_logits = x @ Wn.T + bn  # computed by the module but unused in eval
    noisy_logits = logits
    best_k_logits, idxs = jax.lax.top_k(noisy_logits, BEST_K)
    rows = jnp.arange(noisy_logits.shape[0])[:, None]
    sparse_logits = jnp.full_like(noisy_logits, -jnp.inf).at[rows, idxs].set(best_k_logits)
    router_output = jax.nn.softmax(sparse_logits, axis=-1)
    return (router_output, idxs)

if __name__ == "__main__":
    import jax
    _d = setup_inputs()
    print(jax.jit(kernel)(*tuple(_d.values())))

</pallas_src>

<mosaic_0001>
#map = affine_map<(d0, d1) -> (0, 0)>
#map1 = affine_map<(d0, d1) -> (0)>
module attributes {stable_mosaic.version = 14 : i64} {
  func.func @k(%arg0: i32, %arg1: i32, %arg2: memref<16x8192xf32, #tpu.memory_space<hbm>>, %arg3: memref<131072xf32, #tpu.memory_space<hbm>>, %arg4: memref<16384xi32, #tpu.memory_space<hbm>>, %arg5: memref<16x256xf32, #tpu.memory_space<vmem>>, %arg6: memref<4096xf32, #tpu.memory_space<vmem>>, %arg7: memref<512xi32, #tpu.memory_space<vmem>>, %arg8: memref<!tpu.dma_semaphore, #tpu.memory_space<semaphore_mem>>, %arg9: memref<!tpu.dma_semaphore, #tpu.memory_space<semaphore_mem>>) attributes {dimension_semantics = [#tpu.dimension_semantics<core_parallel>, #tpu.dimension_semantics<subcore_parallel>], iteration_bounds = array<i64: 2, 16>, scalar_prefetch = 0 : i64, scratch_operands = 5 : i64, tpu.core_type = #tpu.core_type<sc_vector_subcore>, window_params = [{transform_indices = #map}, {transform_indices = #map1}, {transform_indices = #map1}]} {
    %mul3A = arith.constant 2 : i32
    %mul3A_0 = arith.muli %arg1, %mul3A : i32
    %add3A = arith.addi %mul3A_0, %arg0 : i32
    %mul3A_1 = arith.constant 256 : i32
    %mul3A_2 = arith.muli %add3A, %mul3A_1 : i32
    "tpu.region"() ({
      %run_scoped3A = tpu.sem_alloc : memref<!tpu.dma_semaphore, #tpu.memory_space<semaphore_mem>>
      %dma_start3A_17 = arith.constant 0 : i32
      %dma_start3A_18 = tpu.memref_slice %arg2[%dma_start3A_17, %mul3A_2] : memref<16x8192xf32, #tpu.memory_space<hbm>> -> memref<16x256xf32, #tpu.memory_space<hbm>>
      %dma_start3A_19 = arith.constant 0 : i32
      %dma_start3A_20 = tpu.memref_slice %arg2[%dma_start3A_19, %mul3A_2] : memref<16x8192xf32, #tpu.memory_space<hbm>> -> memref<16x256xf32, #tpu.memory_space<hbm>>
      tpu.enqueue_dma source(%dma_start3A_20 : memref<16x256xf32, #tpu.memory_space<hbm>>) target(%arg5 : memref<16x256xf32, #tpu.memory_space<vmem>>) target_semaphore(%run_scoped3A : memref<!tpu.dma_semaphore, #tpu.memory_space<semaphore_mem>>)
      %dma_wait3A_21 = arith.constant 0 : i32
      %dma_wait3A_22 = tpu.memref_slice %arg2[%dma_wait3A_21, %mul3A_2] : memref<16x8192xf32, #tpu.memory_space<hbm>> -> memref<16x256xf32, #tpu.memory_space<hbm>>
      %dma_wait3A_23 = arith.constant 0 : i32
      %dma_wait3A_24 = tpu.memref_slice %arg2[%dma_wait3A_23, %mul3A_2] : memref<16x8192xf32, #tpu.memory_space<hbm>> -> memref<16x256xf32, #tpu.memory_space<hbm>>
      tpu.wait_dma2 semaphore(%run_scoped3A : memref<!tpu.dma_semaphore, #tpu.memory_space<semaphore_mem>>) src(%dma_wait3A_24 : memref<16x256xf32, #tpu.memory_space<hbm>>) dst(%arg5 : memref<16x256xf32, #tpu.memory_space<vmem>>)
      tpu.yield
    }) : () -> ()
    %iota3A = tpu.iota {dimensions = array<i32: 0>} : vector<16xi32>
    %scan3A = arith.constant 0 : i32
    %scan3A_3 = arith.constant 16 : i32
    %scan3A_4 = arith.addi %scan3A, %scan3A_3 : i32
    %scan3A_5 = arith.constant 1 : i32
    scf.for %scan3A_17 = %scan3A to %scan3A_4 step %scan3A_5  : i32 {
      %mul3A_18 = arith.constant 16 : i32
      %mul3A_19 = arith.muli %scan3A_17, %mul3A_18 : i32
      %get3A = arith.constant 0 : i32
      %get3A_20 = arith.index_cast %get3A : i32 to index
      %get3A_21 = arith.index_cast %mul3A_19 : i32 to index
      %get3A_22 = tpu.vector_load %arg5[%get3A_20, %get3A_21] {strides = array<i32>} : memref<16x256xf32, #tpu.memory_space<vmem>>, vector<1x16xf32>,
      %get3A_23 = vector.shape_cast %get3A_22 : vector<1x16xf32> to vector<16xf32>
      %broadcast_in_dim3A = arith.constant 0 : i32
      %broadcast_in_dim3A_24 = vector.broadcast %broadcast_in_dim3A : i32 to vector<16xi32>
      %broadcast_in_dim3A_25 = arith.constant 0xFF800000 : f32
      %broadcast_in_dim3A_26 = vector.broadcast %broadcast_in_dim3A_25 : f32 to vector<16xf32>
      %broadcast_in_dim3A_27 = arith.constant 0 : i32
      %broadcast_in_dim3A_28 = vector.broadcast %broadcast_in_dim3A_27 : i32 to vector<16xi32>
      %mul3A_29 = arith.constant 16 : i32
      %mul3A_30 = arith.muli %scan3A_17, %mul3A_29 : i32
      %get3A_31 = arith.constant 1 : i32
      %get3A_32 = arith.index_cast %get3A_31 : i32 to index
      %get3A_33 = arith.index_cast %mul3A_30 : i32 to index
      %get3A_34 = tpu.vector_load %arg5[%get3A_32, %get3A_33] {strides = array<i32>} : memref<16x256xf32, #tpu.memory_space<vmem>>, vector<1x16xf32>,
      %get3A_35 = vector.shape_cast %get3A_34 : vector<1x16xf32> to vector<16xf32>
      %gt3A = arith.cmpf ogt, %get3A_35, %get3A_23 : vector<16xf32>
      %gt3A_36 = arith.cmpf ogt, %get3A_35, %broadcast_in_dim3A_26 : vector<16xf32>
      %select_n3A = arith.select %gt3A_36, %get3A_35, %broadcast_in_dim3A_26 : vector<16xi1>, vector<16xf32>
      %select_n3A_37 = arith.select %gt3A, %get3A_23, %select_n3A : vector<16xi1>, vector<16xf32>
      %jit3A = arith.constant 1 : i32
      %broadcast_in_dim3A_38 = vector.broadcast %jit3A : i32 to vector<16xi32>
      %select_n3A_39 = arith.select %gt3A_36, %broadcast_in_dim3A_38, %broadcast_in_dim3A_28 : vector<16xi1>, vector<16xi32>
      %select_n3A_40 = arith.select %gt3A, %broadcast_in_dim3A_24, %select_n3A_39 : vector<16xi1>, vector<16xi32>
      %select_n3A_41 = arith.select %gt3A, %get3A_35, %get3A_23 : vector<16xi1>, vector<16xf32>
      %jit3A_42 = arith.constant 1 : i32
      %broadcast_in_dim3A_43 = vector.broadcast %jit3A_42 : i32 to vector<16xi32>
      %select_n3A_44 = arith.select %gt3A, %broadcast_in_dim3A_43, %broadcast_in_dim3A_24 : vector<16xi1>, vector<16xi32>
      %mul3A_45 = arith.constant 16 : i32
      %mul3A_46 = arith.muli %scan3A_17, %mul3A_45 : i32
      %get3A_47 = arith.constant 2 : i32
      %get3A_48 = arith.index_cast %get3A_47 : i32 to index
      %get3A_49 = arith.index_cast %mul3A_46 : i32 to index
      %get3A_50 = tpu.vector_load %arg5[%get3A_48, %get3A_49] {strides = array<i32>} : memref<16x256xf32, #tpu.memory_space<vmem>>, vector<1x16xf32>,
      %get3A_51 = vector.shape_cast %get3A_50 : vector<1x16xf32> to vector<16xf32>
      %gt3A_52 = arith.cmpf ogt, %get3A_51, %select_n3A_41 : vector<16xf32>
      %gt3A_53 = arith.cmpf ogt, %get3A_51, %select_n3A_37 : vector<16xf32>
      %select_n3A_54 = arith.select %gt3A_53, %get3A_51, %select_n3A_37 : vector<16xi1>, vector<16xf32>
      %select_n3A_55 = arith.select %gt3A_52, %select_n3A_41, %select_n3A_54 : vector<16xi1>, vector<16xf32>
      %jit3A_56 = arith.constant 2 : i32
      %broadcast_in_dim3A_57 = vector.broadcast %jit3A_56 : i32 to vector<16xi32>
      %select_n3A_58 = arith.select %gt3A_53, %broadcast_in_dim3A_57, %select_n3A_40 : vector<16xi1>, vector<16xi32>
      %select_n3A_59 = arith.select %gt3A_52, %select_n3A_44, %select_n3A_58 : vector<16xi1>, vector<16xi32>
      %select_n3A_60 = arith.select %gt3A_52, %get3A_51, %select_n3A_41 : vector<16xi1>, vector<16xf32>
      %jit3A_61 = arith.constant 2 : i32
      %broadcast_in_dim3A_62 = vector.broadcast %jit3A_61 : i32 to vector<16xi32>
      %select_n3A_63 = arith.select %gt3A_52, %broadcast_in_dim3A_62, %select_n3A_44 : vector<16xi1>, vector<16xi32>
      %mul3A_64 = arith.constant 16 : i32
      %mul3A_65 = arith.muli %scan3A_17, %mul3A_64 : i32
      %get3A_66 = arith.constant 3 : i32
      %get3A_67 = arith.index_cast %get3A_66 : i32 to index
      %get3A_68 = arith.index_cast %mul3A_65 : i32 to index
      %get3A_69 = tpu.vector_load %arg5[%get3A_67, %get3A_68] {strides = array<i32>} : memref<16x256xf32, #tpu.memory_space<vmem>>, vector<1x16xf32>,
      %get3A_70 = vector.shape_cast %get3A_69 : vector<1x16xf32> to vector<16xf32>
      %gt3A_71 = arith.cmpf ogt, %get3A_70, %select_n3A_60 : vector<16xf32>
      %gt3A_72 = arith.cmpf ogt, %get3A_70, %select_n3A_55 : vector<16xf32>
      %select_n3A_73 = arith.select %gt3A_72, %get3A_70, %select_n3A_55 : vector<16xi1>, vector<16xf32>
      %select_n3A_74 = arith.select %gt3A_71, %select_n3A_60, %select_n3A_73 : vector<16xi1>, vector<16xf32>
      %jit3A_75 = arith.constant 3 : i32
      %broadcast_in_dim3A_76 = vector.broadcast %jit3A_75 : i32 to vector<16xi32>
      %select_n3A_77 = arith.select %gt3A_72, %broadcast_in_dim3A_76, %select_n3A_59 : vector<16xi1>, vector<16xi32>
      %select_n3A_78 = arith.select %gt3A_71, %select_n3A_63, %select_n3A_77 : vector<16xi1>, vector<16xi32>
      %select_n3A_79 = arith.select %gt3A_71, %get3A_70, %select_n3A_60 : vector<16xi1>, vector<16xf32>
      %jit3A_80 = arith.constant 3 : i32
      %broadcast_in_dim3A_81 = vector.broadcast %jit3A_80 : i32 to vector<16xi32>
      %select_n3A_82 = arith.select %gt3A_71, %broadcast_in_dim3A_81, %select_n3A_63 : vector<16xi1>, vector<16xi32>
      %mul3A_83 = arith.constant 16 : i32
      %mul3A_84 = arith.muli %scan3A_17, %mul3A_83 : i32
      %get3A_85 = arith.constant 4 : i32
      %get3A_86 = arith.index_cast %get3A_85 : i32 to index
      %get3A_87 = arith.index_cast %mul3A_84 : i32 to index
      %get3A_88 = tpu.vector_load %arg5[%get3A_86, %get3A_87] {strides = array<i32>} : memref<16x256xf32, #tpu.memory_space<vmem>>, vector<1x16xf32>,
      %get3A_89 = vector.shape_cast %get3A_88 : vector<1x16xf32> to vector<16xf32>
      %gt3A_90 = arith.cmpf ogt, %get3A_89, %select_n3A_79 : vector<16xf32>
      %gt3A_91 = arith.cmpf ogt, %get3A_89, %select_n3A_74 : vector<16xf32>
      %select_n3A_92 = arith.select %gt3A_91, %get3A_89, %select_n3A_74 : vector<16xi1>, vector<16xf32>
      %select_n3A_93 = arith.select %gt3A_90, %select_n3A_79, %select_n3A_92 : vector<16xi1>, vector<16xf32>
      %jit3A_94 = arith.constant 4 : i32
      %broadcast_in_dim3A_95 = vector.broadcast %jit3A_94 : i32 to vector<16xi32>
      %select_n3A_96 = arith.select %gt3A_91, %broadcast_in_dim3A_95, %select_n3A_78 : vector<16xi1>, vector<16xi32>
      %select_n3A_97 = arith.select %gt3A_90, %select_n3A_82, %select_n3A_96 : vector<16xi1>, vector<16xi32>
      %select_n3A_98 = arith.select %gt3A_90, %get3A_89, %select_n3A_79 : vector<16xi1>, vector<16xf32>
      %jit3A_99 = arith.constant 4 : i32
      %broadcast_in_dim3A_100 = vector.broadcast %jit3A_99 : i32 to vector<16xi32>
      %select_n3A_101 = arith.select %gt3A_90, %broadcast_in_dim3A_100, %select_n3A_82 : vector<16xi1>, vector<16xi32>
      %mul3A_102 = arith.constant 16 : i32
      %mul3A_103 = arith.muli %scan3A_17, %mul3A_102 : i32
      %get3A_104 = arith.constant 5 : i32
      %get3A_105 = arith.index_cast %get3A_104 : i32 to index
      %get3A_106 = arith.index_cast %mul3A_103 : i32 to index
      %get3A_107 = tpu.vector_load %arg5[%get3A_105, %get3A_106] {strides = array<i32>} : memref<16x256xf32, #tpu.memory_space<vmem>>, vector<1x16xf32>,
      %get3A_108 = vector.shape_cast %get3A_107 : vector<1x16xf32> to vector<16xf32>
      %gt3A_109 = arith.cmpf ogt, %get3A_108, %select_n3A_98 : vector<16xf32>
      %gt3A_110 = arith.cmpf ogt, %get3A_108, %select_n3A_93 : vector<16xf32>
      %select_n3A_111 = arith.select %gt3A_110, %get3A_108, %select_n3A_93 : vector<16xi1>, vector<16xf32>
      %select_n3A_112 = arith.select %gt3A_109, %select_n3A_98, %select_n3A_111 : vector<16xi1>, vector<16xf32>
      %jit3A_113 = arith.constant 5 : i32
      %broadcast_in_dim3A_114 = vector.broadcast %jit3A_113 : i32 to vector<16xi32>
      %select_n3A_115 = arith.select %gt3A_110, %broadcast_in_dim3A_114, %select_n3A_97 : vector<16xi1>, vector<16xi32>
      %select_n3A_116 = arith.select %gt3A_109, %select_n3A_101, %select_n3A_115 : vector<16xi1>, vector<16xi32>
      %select_n3A_117 = arith.select %gt3A_109, %get3A_108, %select_n3A_98 : vector<16xi1>, vector<16xf32>
      %jit3A_118 = arith.constant 5 : i32
      %broadcast_in_dim3A_119 = vector.broadcast %jit3A_118 : i32 to vector<16xi32>
      %select_n3A_120 = arith.select %gt3A_109, %broadcast_in_dim3A_119, %select_n3A_101 : vector<16xi1>, vector<16xi32>
      %mul3A_121 = arith.constant 16 : i32
      %mul3A_122 = arith.muli %scan3A_17, %mul3A_121 : i32
      %get3A_123 = arith.constant 6 : i32
      %get3A_124 = arith.index_cast %get3A_123 : i32 to index
      %get3A_125 = arith.index_cast %mul3A_122 : i32 to index
      %get3A_126 = tpu.vector_load %arg5[%get3A_124, %get3A_125] {strides = array<i32>} : memref<16x256xf32, #tpu.memory_space<vmem>>, vector<1x16xf32>,
      %get3A_127 = vector.shape_cast %get3A_126 : vector<1x16xf32> to vector<16xf32>
      %gt3A_128 = arith.cmpf ogt, %get3A_127, %select_n3A_117 : vector<16xf32>
      %gt3A_129 = arith.cmpf ogt, %get3A_127, %select_n3A_112 : vector<16xf32>
      %select_n3A_130 = arith.select %gt3A_129, %get3A_127, %select_n3A_112 : vector<16xi1>, vector<16xf32>
      %select_n3A_131 = arith.select %gt3A_128, %select_n3A_117, %select_n3A_130 : vector<16xi1>, vector<16xf32>
      %jit3A_132 = arith.constant 6 : i32
      %broadcast_in_dim3A_133 = vector.broadcast %jit3A_132 : i32 to vector<16xi32>
      %select_n3A_134 = arith.select %gt3A_129, %broadcast_in_dim3A_133, %select_n3A_116 : vector<16xi1>, vector<16xi32>
      %select_n3A_135 = arith.select %gt3A_128, %select_n3A_120, %select_n3A_134 : vector<16xi1>, vector<16xi32>
      %select_n3A_136 = arith.select %gt3A_128, %get3A_127, %select_n3A_117 : vector<16xi1>, vector<16xf32>
      %jit3A_137 = arith.constant 6 : i32
      %broadcast_in_dim3A_138 = vector.broadcast %jit3A_137 : i32 to vector<16xi32>
      %select_n3A_139 = arith.select %gt3A_128, %broadcast_in_dim3A_138, %select_n3A_120 : vector<16xi1>, vector<16xi32>
      %mul3A_140 = arith.constant 16 : i32
      %mul3A_141 = arith.muli %scan3A_17, %mul3A_140 : i32
      %get3A_142 = arith.constant 7 : i32
      %get3A_143 = arith.index_cast %get3A_142 : i32 to index
      %get3A_144 = arith.index_cast %mul3A_141 : i32 to index
      %get3A_145 = tpu.vector_load %arg5[%get3A_143, %get3A_144] {strides = array<i32>} : memref<16x256xf32, #tpu.memory_space<vmem>>, vector<1x16xf32>,
      %get3A_146 = vector.shape_cast %get3A_145 : vector<1x16xf32> to vector<16xf32>
      %gt3A_147 = arith.cmpf ogt, %get3A_146, %select_n3A_136 : vector<16xf32>
      %gt3A_148 = arith.cmpf ogt, %get3A_146, %select_n3A_131 : vector<16xf32>
      %select_n3A_149 = arith.select %gt3A_148, %get3A_146, %select_n3A_131 : vector<16xi1>, vector<16xf32>
      %select_n3A_150 = arith.select %gt3A_147, %select_n3A_136, %select_n3A_149 : vector<16xi1>, vector<16xf32>
      %jit3A_151 = arith.constant 7 : i32
      %broadcast_in_dim3A_152 = vector.broadcast %jit3A_151 : i32 to vector<16xi32>
      %select_n3A_153 = arith.select %gt3A_148, %broadcast_in_dim3A_152, %select_n3A_135 : vector<16xi1>, vector<16xi32>
      %select_n3A_154 = arith.select %gt3A_147, %select_n3A_139, %select_n3A_153 : vector<16xi1>, vector<16xi32>
      %select_n3A_155 = arith.select %gt3A_147, %get3A_146, %select_n3A_136 : vector<16xi1>, vector<16xf32>
      %jit3A_156 = arith.constant 7 : i32
      %broadcast_in_dim3A_157 = vector.broadcast %jit3A_156 : i32 to vector<16xi32>
      %select_n3A_158 = arith.select %gt3A_147, %broadcast_in_dim3A_157, %select_n3A_139 : vector<16xi1>, vector<16xi32>
      %mul3A_159 = arith.constant 16 : i32
      %mul3A_160 = arith.muli %scan3A_17, %mul3A_159 : i32
      %get3A_161 = arith.constant 8 : i32
      %get3A_162 = arith.index_cast %get3A_161 : i32 to index
      %get3A_163 = arith.index_cast %mul3A_160 : i32 to index
      %get3A_164 = tpu.vector_load %arg5[%get3A_162, %get3A_163] {strides = array<i32>} : memref<16x256xf32, #tpu.memory_space<vmem>>, vector<1x16xf32>,
      %get3A_165 = vector.shape_cast %get3A_164 : vector<1x16xf32> to vector<16xf32>
      %gt3A_166 = arith.cmpf ogt, %get3A_165, %select_n3A_155 : vector<16xf32>
      %gt3A_167 = arith.cmpf ogt, %get3A_165, %select_n3A_150 : vector<16xf32>
      %select_n3A_168 = arith.select %gt3A_167, %get3A_165, %select_n3A_150 : vector<16xi1>, vector<16xf32>
      %select_n3A_169 = arith.select %gt3A_166, %select_n3A_155, %select_n3A_168 : vector<16xi1>, vector<16xf32>
      %jit3A_170 = arith.constant 8 : i32
      %broadcast_in_dim3A_171 = vector.broadcast %jit3A_170 : i32 to vector<16xi32>
      %select_n3A_172 = arith.select %gt3A_167, %broadcast_in_dim3A_171, %select_n3A_154 : vector<16xi1>, vector<16xi32>
      %select_n3A_173 = arith.select %gt3A_166, %select_n3A_158, %select_n3A_172 : vector<16xi1>, vector<16xi32>
      %select_n3A_174 = arith.select %gt3A_166, %get3A_165, %select_n3A_155 : vector<16xi1>, vector<16xf32>
      %jit3A_175 = arith.constant 8 : i32
      %broadcast_in_dim3A_176 = vector.broadcast %jit3A_175 : i32 to vector<16xi32>
      %select_n3A_177 = arith.select %gt3A_166, %broadcast_in_dim3A_176, %select_n3A_158 : vector<16xi1>, vector<16xi32>
      %mul3A_178 = arith.constant 16 : i32
      %mul3A_179 = arith.muli %scan3A_17, %mul3A_178 : i32
      %get3A_180 = arith.constant 9 : i32
      %get3A_181 = arith.index_cast %get3A_180 : i32 to index
      %get3A_182 = arith.index_cast %mul3A_179 : i32 to index
      %get3A_183 = tpu.vector_load %arg5[%get3A_181, %get3A_182] {strides = array<i32>} : memref<16x256xf32, #tpu.memory_space<vmem>>, vector<1x16xf32>,
      %get3A_184 = vector.shape_cast %get3A_183 : vector<1x16xf32> to vector<16xf32>
      %gt3A_185 = arith.cmpf ogt, %get3A_184, %select_n3A_174 : vector<16xf32>
      %gt3A_186 = arith.cmpf ogt, %get3A_184, %select_n3A_169 : vector<16xf32>
      %select_n3A_187 = arith.select %gt3A_186, %get3A_184, %select_n3A_169 : vector<16xi1>, vector<16xf32>
      %select_n3A_188 = arith.select %gt3A_185, %select_n3A_174, %select_n3A_187 : vector<16xi1>, vector<16xf32>
      %jit3A_189 = arith.constant 9 : i32
      %broadcast_in_dim3A_190 = vector.broadcast %jit3A_189 : i32 to vector<16xi32>
      %select_n3A_191 = arith.select %gt3A_186, %broadcast_in_dim3A_190, %select_n3A_173 : vector<16xi1>, vector<16xi32>
      %select_n3A_192 = arith.select %gt3A_185, %select_n3A_177, %select_n3A_191 : vector<16xi1>, vector<16xi32>
      %select_n3A_193 = arith.select %gt3A_185, %get3A_184, %select_n3A_174 : vector<16xi1>, vector<16xf32>
      %jit3A_194 = arith.constant 9 : i32
      %broadcast_in_dim3A_195 = vector.broadcast %jit3A_194 : i32 to vector<16xi32>
      %select_n3A_196 = arith.select %gt3A_185, %broadcast_in_dim3A_195, %select_n3A_177 : vector<16xi1>, vector<16xi32>
      %mul3A_197 = arith.constant 16 : i32
      %mul3A_198 = arith.muli %scan3A_17, %mul3A_197 : i32
      %get3A_199 = arith.constant 10 : i32
      %get3A_200 = arith.index_cast %get3A_199 : i32 to index
      %get3A_201 = arith.index_cast %mul3A_198 : i32 to index
      %get3A_202 = tpu.vector_load %arg5[%get3A_200, %get3A_201] {strides = array<i32>} : memref<16x256xf32, #tpu.memory_space<vmem>>, vector<1x16xf32>,
      %get3A_203 = vector.shape_cast %get3A_202 : vector<1x16xf32> to vector<16xf32>
      %gt3A_204 = arith.cmpf ogt, %get3A_203, %select_n3A_193 : vector<16xf32>
      %gt3A_205 = arith.cmpf ogt, %get3A_203, %select_n3A_188 : vector<16xf32>
      %select_n3A_206 = arith.select %gt3A_205, %get3A_203, %select_n3A_188 : vector<16xi1>, vector<16xf32>
      %select_n3A_207 = arith.select %gt3A_204, %select_n3A_193, %select_n3A_206 : vector<16xi1>, vector<16xf32>
      %jit3A_208 = arith.constant 10 : i32
      %broadcast_in_dim3A_209 = vector.broadcast %jit3A_208 : i32 to vector<16xi32>
      %select_n3A_210 = arith.select %gt3A_205, %broadcast_in_dim3A_209, %select_n3A_192 : vector<16xi1>, vector<16xi32>
      %select_n3A_211 = arith.select %gt3A_204, %select_n3A_196, %select_n3A_210 : vector<16xi1>, vector<16xi32>
      %select_n3A_212 = arith.select %gt3A_204, %get3A_203, %select_n3A_193 : vector<16xi1>, vector<16xf32>
      %jit3A_213 = arith.constant 10 : i32
      %broadcast_in_dim3A_214 = vector.broadcast %jit3A_213 : i32 to vector<16xi32>
      %select_n3A_215 = arith.select %gt3A_204, %broadcast_in_dim3A_214, %select_n3A_196 : vector<16xi1>, vector<16xi32>
      %mul3A_216 = arith.constant 16 : i32
      %mul3A_217 = arith.muli %scan3A_17, %mul3A_216 : i32
      %get3A_218 = arith.constant 11 : i32
      %get3A_219 = arith.index_cast %get3A_218 : i32 to index
      %get3A_220 = arith.index_cast %mul3A_217 : i32 to index
      %get3A_221 = tpu.vector_load %arg5[%get3A_219, %get3A_220] {strides = array<i32>} : memref<16x256xf32, #tpu.memory_space<vmem>>, vector<1x16xf32>,
      %get3A_222 = vector.shape_cast %get3A_221 : vector<1x16xf32> to vector<16xf32>
      %gt3A_223 = arith.cmpf ogt, %get3A_222, %select_n3A_212 : vector<16xf32>
      %gt3A_224 = arith.cmpf ogt, %get3A_222, %select_n3A_207 : vector<16xf32>
      %select_n3A_225 = arith.select %gt3A_224, %get3A_222, %select_n3A_207 : vector<16xi1>, vector<16xf32>
      %select_n3A_226 = arith.select %gt3A_223, %select_n3A_212, %select_n3A_225 : vector<16xi1>, vector<16xf32>
      %jit3A_227 = arith.constant 11 : i32
      %broadcast_in_dim3A_228 = vector.broadcast %jit3A_227 : i32 to vector<16xi32>
      %select_n3A_229 = arith.select %gt3A_224, %broadcast_in_dim3A_228, %select_n3A_211 : vector<16xi1>, vector<16xi32>
      %select_n3A_230 = arith.select %gt3A_223, %select_n3A_215, %select_n3A_229 : vector<16xi1>, vector<16xi32>
      %select_n3A_231 = arith.select %gt3A_223, %get3A_222, %select_n3A_212 : vector<16xi1>, vector<16xf32>
      %jit3A_232 = arith.constant 11 : i32
      %broadcast_in_dim3A_233 = vector.broadcast %jit3A_232 : i32 to vector<16xi32>
      %select_n3A_234 = arith.select %gt3A_223, %broadcast_in_dim3A_233, %select_n3A_215 : vector<16xi1>, vector<16xi32>
      %mul3A_235 = arith.constant 16 : i32
      %mul3A_236 = arith.muli %scan3A_17, %mul3A_235 : i32
      %get3A_237 = arith.constant 12 : i32
      %get3A_238 = arith.index_cast %get3A_237 : i32 to index
      %get3A_239 = arith.index_cast %mul3A_236 : i32 to index
      %get3A_240 = tpu.vector_load %arg5[%get3A_238, %get3A_239] {strides = array<i32>} : memref<16x256xf32, #tpu.memory_space<vmem>>, vector<1x16xf32>,
      %get3A_241 = vector.shape_cast %get3A_240 : vector<1x16xf32> to vector<16xf32>
      %gt3A_242 = arith.cmpf ogt, %get3A_241, %select_n3A_231 : vector<16xf32>
      %gt3A_243 = arith.cmpf ogt, %get3A_241, %select_n3A_226 : vector<16xf32>
      %select_n3A_244 = arith.select %gt3A_243, %get3A_241, %select_n3A_226 : vector<16xi1>, vector<16xf32>
      %select_n3A_245 = arith.select %gt3A_242, %select_n3A_231, %select_n3A_244 : vector<16xi1>, vector<16xf32>
      %jit3A_246 = arith.constant 12 : i32
      %broadcast_in_dim3A_247 = vector.broadcast %jit3A_246 : i32 to vector<16xi32>
      %select_n3A_248 = arith.select %gt3A_243, %broadcast_in_dim3A_247, %select_n3A_230 : vector<16xi1>, vector<16xi32>
      %select_n3A_249 = arith.select %gt3A_242, %select_n3A_234, %select_n3A_248 : vector<16xi1>, vector<16xi32>
      %select_n3A_250 = arith.select %gt3A_242, %get3A_241, %select_n3A_231 : vector<16xi1>, vector<16xf32>
      %jit3A_251 = arith.constant 12 : i32
      %broadcast_in_dim3A_252 = vector.broadcast %jit3A_251 : i32 to vector<16xi32>
      %select_n3A_253 = arith.select %gt3A_242, %broadcast_in_dim3A_252, %select_n3A_234 : vector<16xi1>, vector<16xi32>
      %mul3A_254 = arith.constant 16 : i32
      %mul3A_255 = arith.muli %scan3A_17, %mul3A_254 : i32
      %get3A_256 = arith.constant 13 : i32
      %get3A_257 = arith.index_cast %get3A_256 : i32 to index
      %get3A_258 = arith.index_cast %mul3A_255 : i32 to index
      %get3A_259 = tpu.vector_load %arg5[%get3A_257, %get3A_258] {strides = array<i32>} : memref<16x256xf32, #tpu.memory_space<vmem>>, vector<1x16xf32>,
      %get3A_260 = vector.shape_cast %get3A_259 : vector<1x16xf32> to vector<16xf32>
      %gt3A_261 = arith.cmpf ogt, %get3A_260, %select_n3A_250 : vector<16xf32>
      %gt3A_262 = arith.cmpf ogt, %get3A_260, %select_n3A_245 : vector<16xf32>
      %select_n3A_263 = arith.select %gt3A_262, %get3A_260, %select_n3A_245 : vector<16xi1>, vector<16xf32>
      %select_n3A_264 = arith.select %gt3A_261, %select_n3A_250, %select_n3A_263 : vector<16xi1>, vector<16xf32>
      %jit3A_265 = arith.constant 13 : i32
      %broadcast_in_dim3A_266 = vector.broadcast %jit3A_265 : i32 to vector<16xi32>
      %select_n3A_267 = arith.select %gt3A_262, %broadcast_in_dim3A_266, %select_n3A_249 : vector<16xi1>, vector<16xi32>
      %select_n3A_268 = arith.select %gt3A_261, %select_n3A_253, %select_n3A_267 : vector<16xi1>, vector<16xi32>
      %select_n3A_269 = arith.select %gt3A_261, %get3A_260, %select_n3A_250 : vector<16xi1>, vector<16xf32>
      %jit3A_270 = arith.constant 13 : i32
      %broadcast_in_dim3A_271 = vector.broadcast %jit3A_270 : i32 to vector<16xi32>
      %select_n3A_272 = arith.select %gt3A_261, %broadcast_in_dim3A_271, %select_n3A_253 : vector<16xi1>, vector<16xi32>
      %mul3A_273 = arith.constant 16 : i32
      %mul3A_274 = arith.muli %scan3A_17, %mul3A_273 : i32
      %get3A_275 = arith.constant 14 : i32
      %get3A_276 = arith.index_cast %get3A_275 : i32 to index
      %get3A_277 = arith.index_cast %mul3A_274 : i32 to index
      %get3A_278 = tpu.vector_load %arg5[%get3A_276, %get3A_277] {strides = array<i32>} : memref<16x256xf32, #tpu.memory_space<vmem>>, vector<1x16xf32>,
      %get3A_279 = vector.shape_cast %get3A_278 : vector<1x16xf32> to vector<16xf32>
      %gt3A_280 = arith.cmpf ogt, %get3A_279, %select_n3A_269 : vector<16xf32>
      %gt3A_281 = arith.cmpf ogt, %get3A_279, %select_n3A_264 : vector<16xf32>
      %select_n3A_282 = arith.select %gt3A_281, %get3A_279, %select_n3A_264 : vector<16xi1>, vector<16xf32>
      %select_n3A_283 = arith.select %gt3A_280, %select_n3A_269, %select_n3A_282 : vector<16xi1>, vector<16xf32>
      %jit3A_284 = arith.constant 14 : i32
      %broadcast_in_dim3A_285 = vector.broadcast %jit3A_284 : i32 to vector<16xi32>
      %select_n3A_286 = arith.select %gt3A_281, %broadcast_in_dim3A_285, %select_n3A_268 : vector<16xi1>, vector<16xi32>
      %select_n3A_287 = arith.select %gt3A_280, %select_n3A_272, %select_n3A_286 : vector<16xi1>, vector<16xi32>
      %select_n3A_288 = arith.select %gt3A_280, %get3A_279, %select_n3A_269 : vector<16xi1>, vector<16xf32>
      %jit3A_289 = arith.constant 14 : i32
      %broadcast_in_dim3A_290 = vector.broadcast %jit3A_289 : i32 to vector<16xi32>
      %select_n3A_291 = arith.select %gt3A_280, %broadcast_in_dim3A_290, %select_n3A_272 : vector<16xi1>, vector<16xi32>
      %mul3A_292 = arith.constant 16 : i32
      %mul3A_293 = arith.muli %scan3A_17, %mul3A_292 : i32
      %get3A_294 = arith.constant 15 : i32
      %get3A_295 = arith.index_cast %get3A_294 : i32 to index
      %get3A_296 = arith.index_cast %mul3A_293 : i32 to index
      %get3A_297 = tpu.vector_load %arg5[%get3A_295, %get3A_296] {strides = array<i32>} : memref<16x256xf32, #tpu.memory_space<vmem>>, vector<1x16xf32>,
      %get3A_298 = vector.shape_cast %get3A_297 : vector<1x16xf32> to vector<16xf32>
      %gt3A_299 = arith.cmpf ogt, %get3A_298, %select_n3A_288 : vector<16xf32>
      %gt3A_300 = arith.cmpf ogt, %get3A_298, %select_n3A_283 : vector<16xf32>
      %select_n3A_301 = arith.select %gt3A_300, %get3A_298, %select_n3A_283 : vector<16xi1>, vector<16xf32>
      %select_n3A_302 = arith.select %gt3A_299, %select_n3A_288, %select_n3A_301 : vector<16xi1>, vector<16xf32>
      %jit3A_303 = arith.constant 15 : i32
      %broadcast_in_dim3A_304 = vector.broadcast %jit3A_303 : i32 to vector<16xi32>
      %select_n3A_305 = arith.select %gt3A_300, %broadcast_in_dim3A_304, %select_n3A_287 : vector<16xi1>, vector<16xi32>
      %select_n3A_306 = arith.select %gt3A_299, %select_n3A_291, %select_n3A_305 : vector<16xi1>, vector<16xi32>
      %select_n3A_307 = arith.select %gt3A_299, %get3A_298, %select_n3A_288 : vector<16xi1>, vector<16xf32>
      %jit3A_308 = arith.constant 15 : i32
      %broadcast_in_dim3A_309 = vector.broadcast %jit3A_308 : i32 to vector<16xi32>
      %select_n3A_310 = arith.select %gt3A_299, %broadcast_in_dim3A_309, %select_n3A_291 : vector<16xi1>, vector<16xi32>
      %sub3A = arith.subf %select_n3A_302, %select_n3A_307 : vector<16xf32>
      %exp3A = math.exp %sub3A : vector<16xf32>
      %add3A_311 = arith.constant 1.000000e+00 : f32
      %add3A_312 = vector.broadcast %add3A_311 : f32 to vector<16xf32>
      %add3A_313 = arith.addf %add3A_312, %exp3A : vector<16xf32>
      %div3A = arith.constant 1.000000e+00 : f32
      %div3A_314 = vector.broadcast %div3A : f32 to vector<16xf32>
      %div3A_315 = arith.divf %div3A_314, %add3A_313 : vector<16xf32>
      %mul3A_316 = arith.mulf %exp3A, %div3A_315 : vector<16xf32>
      %eq3A = arith.constant 0 : i32
      %eq3A_317 = vector.broadcast %eq3A : i32 to vector<16xi32>
      %eq3A_318 = arith.cmpi eq, %select_n3A_310, %eq3A_317 : vector<16xi32>
      %eq3A_319 = arith.constant 0 : i32
      %eq3A_320 = vector.broadcast %eq3A_319 : i32 to vector<16xi32>
      %eq3A_321 = arith.cmpi eq, %select_n3A_306, %eq3A_320 : vector<16xi32>
      %jit3A_322 = arith.constant 0.000000e+00 : f32
      %broadcast_in_dim3A_323 = vector.broadcast %jit3A_322 : f32 to vector<16xf32>
      %select_n3A_324 = arith.select %eq3A_321, %mul3A_316, %broadcast_in_dim3A_323 : vector<16xi1>, vector<16xf32>
      %select_n3A_325 = arith.select %eq3A_318, %div3A_315, %select_n3A_324 : vector<16xi1>, vector<16xf32>
      %eq3A_326 = arith.constant 1 : i32
      %eq3A_327 = vector.broadcast %eq3A_326 : i32 to vector<16xi32>
      %eq3A_328 = arith.cmpi eq, %select_n3A_310, %eq3A_327 : vector<16xi32>
      %eq3A_329 = arith.constant 1 : i32
      %eq3A_330 = vector.broadcast %eq3A_329 : i32 to vector<16xi32>
      %eq3A_331 = arith.cmpi eq, %select_n3A_306, %eq3A_330 : vector<16xi32>
      %jit3A_332 = arith.constant 0.000000e+00 : f32
      %broadcast_in_dim3A_333 = vector.broadcast %jit3A_332 : f32 to vector<16xf32>
      %select_n3A_334 = arith.select %eq3A_331, %mul3A_316, %broadcast_in_dim3A_333 : vector<16xi1>, vector<16xf32>
      %select_n3A_335 = arith.select %eq3A_328, %div3A_315, %select_n3A_334 : vector<16xi1>, vector<16xf32>
      %eq3A_336 = arith.constant 2 : i32
      %eq3A_337 = vector.broadcast %eq3A_336 : i32 to vector<16xi32>
      %eq3A_338 = arith.cmpi eq, %select_n3A_310, %eq3A_337 : vector<16xi32>
      %eq3A_339 = arith.constant 2 : i32
      %eq3A_340 = vector.broadcast %eq3A_339 : i32 to vector<16xi32>
      %eq3A_341 = arith.cmpi eq, %select_n3A_306, %eq3A_340 : vector<16xi32>
      %jit3A_342 = arith.constant 0.000000e+00 : f32
      %broadcast_in_dim3A_343 = vector.broadcast %jit3A_342 : f32 to vector<16xf32>
      %select_n3A_344 = arith.select %eq3A_341, %mul3A_316, %broadcast_in_dim3A_343 : vector<16xi1>, vector<16xf32>
      %select_n3A_345 = arith.select %eq3A_338, %div3A_315, %select_n3A_344 : vector<16xi1>, vector<16xf32>
      %eq3A_346 = arith.constant 3 : i32
      %eq3A_347 = vector.broadcast %eq3A_346 : i32 to vector<16xi32>
      %eq3A_348 = arith.cmpi eq, %select_n3A_310, %eq3A_347 : vector<16xi32>
      %eq3A_349 = arith.constant 3 : i32
      %eq3A_350 = vector.broadcast %eq3A_349 : i32 to vector<16xi32>
      %eq3A_351 = arith.cmpi eq, %select_n3A_306, %eq3A_350 : vector<16xi32>
      %jit3A_352 = arith.constant 0.000000e+00 : f32
      %broadcast_in_dim3A_353 = vector.broadcast %jit3A_352 : f32 to vector<16xf32>
      %select_n3A_354 = arith.select %eq3A_351, %mul3A_316, %broadcast_in_dim3A_353 : vector<16xi1>, vector<16xf32>
      %select_n3A_355 = arith.select %eq3A_348, %div3A_315, %select_n3A_354 : vector<16xi1>, vector<16xf32>
      %eq3A_356 = arith.constant 4 : i32
      %eq3A_357 = vector.broadcast %eq3A_356 : i32 to vector<16xi32>
      %eq3A_358 = arith.cmpi eq, %select_n3A_310, %eq3A_357 : vector<16xi32>
      %eq3A_359 = arith.constant 4 : i32
      %eq3A_360 = vector.broadcast %eq3A_359 : i32 to vector<16xi32>
      %eq3A_361 = arith.cmpi eq, %select_n3A_306, %eq3A_360 : vector<16xi32>
      %jit3A_362 = arith.constant 0.000000e+00 : f32
      %broadcast_in_dim3A_363 = vector.broadcast %jit3A_362 : f32 to vector<16xf32>
      %select_n3A_364 = arith.select %eq3A_361, %mul3A_316, %broadcast_in_dim3A_363 : vector<16xi1>, vector<16xf32>
      %select_n3A_365 = arith.select %eq3A_358, %div3A_315, %select_n3A_364 : vector<16xi1>, vector<16xf32>
      %eq3A_366 = arith.constant 5 : i32
      %eq3A_367 = vector.broadcast %eq3A_366 : i32 to vector<16xi32>
      %eq3A_368 = arith.cmpi eq, %select_n3A_310, %eq3A_367 : vector<16xi32>
      %eq3A_369 = arith.constant 5 : i32
      %eq3A_370 = vector.broadcast %eq3A_369 : i32 to vector<16xi32>
      %eq3A_371 = arith.cmpi eq, %select_n3A_306, %eq3A_370 : vector<16xi32>
      %jit3A_372 = arith.constant 0.000000e+00 : f32
      %broadcast_in_dim3A_373 = vector.broadcast %jit3A_372 : f32 to vector<16xf32>
      %select_n3A_374 = arith.select %eq3A_371, %mul3A_316, %broadcast_in_dim3A_373 : vector<16xi1>, vector<16xf32>
      %select_n3A_375 = arith.select %eq3A_368, %div3A_315, %select_n3A_374 : vector<16xi1>, vector<16xf32>
      %eq3A_376 = arith.constant 6 : i32
      %eq3A_377 = vector.broadcast %eq3A_376 : i32 to vector<16xi32>
      %eq3A_378 = arith.cmpi eq, %select_n3A_310, %eq3A_377 : vector<16xi32>
      %eq3A_379 = arith.constant 6 : i32
      %eq3A_380 = vector.broadcast %eq3A_379 : i32 to vector<16xi32>
      %eq3A_381 = arith.cmpi eq, %select_n3A_306, %eq3A_380 : vector<16xi32>
      %jit3A_382 = arith.constant 0.000000e+00 : f32
      %broadcast_in_dim3A_383 = vector.broadcast %jit3A_382 : f32 to vector<16xf32>
      %select_n3A_384 = arith.select %eq3A_381, %mul3A_316, %broadcast_in_dim3A_383 : vector<16xi1>, vector<16xf32>
      %select_n3A_385 = arith.select %eq3A_378, %div3A_315, %select_n3A_384 : vector<16xi1>, vector<16xf32>
      %eq3A_386 = arith.constant 7 : i32
      %eq3A_387 = vector.broadcast %eq3A_386 : i32 to vector<16xi32>
      %eq3A_388 = arith.cmpi eq, %select_n3A_310, %eq3A_387 : vector<16xi32>
      %eq3A_389 = arith.constant 7 : i32
      %eq3A_390 = vector.broadcast %eq3A_389 : i32 to vector<16xi32>
      %eq3A_391 = arith.cmpi eq, %select_n3A_306, %eq3A_390 : vector<16xi32>
      %jit3A_392 = arith.constant 0.000000e+00 : f32
      %broadcast_in_dim3A_393 = vector.broadcast %jit3A_392 : f32 to vector<16xf32>
      %select_n3A_394 = arith.select %eq3A_391, %mul3A_316, %broadcast_in_dim3A_393 : vector<16xi1>, vector<16xf32>
      %select_n3A_395 = arith.select %eq3A_388, %div3A_315, %select_n3A_394 : vector<16xi1>, vector<16xf32>
      %eq3A_396 = arith.constant 8 : i32
      %eq3A_397 = vector.broadcast %eq3A_396 : i32 to vector<16xi32>
      %eq3A_398 = arith.cmpi eq, %select_n3A_310, %eq3A_397 : vector<16xi32>
      %eq3A_399 = arith.constant 8 : i32
      %eq3A_400 = vector.broadcast %eq3A_399 : i32 to vector<16xi32>
      %eq3A_401 = arith.cmpi eq, %select_n3A_306, %eq3A_400 : vector<16xi32>
      %jit3A_402 = arith.constant 0.000000e+00 : f32
      %broadcast_in_dim3A_403 = vector.broadcast %jit3A_402 : f32 to vector<16xf32>
      %select_n3A_404 = arith.select %eq3A_401, %mul3A_316, %broadcast_in_dim3A_403 : vector<16xi1>, vector<16xf32>
      %select_n3A_405 = arith.select %eq3A_398, %div3A_315, %select_n3A_404 : vector<16xi1>, vector<16xf32>
      %eq3A_406 = arith.constant 9 : i32
      %eq3A_407 = vector.broadcast %eq3A_406 : i32 to vector<16xi32>
      %eq3A_408 = arith.cmpi eq, %select_n3A_310, %eq3A_407 : vector<16xi32>
      %eq3A_409 = arith.constant 9 : i32
      %eq3A_410 = vector.broadcast %eq3A_409 : i32 to vector<16xi32>
      %eq3A_411 = arith.cmpi eq, %select_n3A_306, %eq3A_410 : vector<16xi32>
      %jit3A_412 = arith.constant 0.000000e+00 : f32
      %broadcast_in_dim3A_413 = vector.broadcast %jit3A_412 : f32 to vector<16xf32>
      %select_n3A_414 = arith.select %eq3A_411, %mul3A_316, %broadcast_in_dim3A_413 : vector<16xi1>, vector<16xf32>
      %select_n3A_415 = arith.select %eq3A_408, %div3A_315, %select_n3A_414 : vector<16xi1>, vector<16xf32>
      %eq3A_416 = arith.constant 10 : i32
      %eq3A_417 = vector.broadcast %eq3A_416 : i32 to vector<16xi32>
      %eq3A_418 = arith.cmpi eq, %select_n3A_310, %eq3A_417 : vector<16xi32>
      %eq3A_419 = arith.constant 10 : i32
      %eq3A_420 = vector.broadcast %eq3A_419 : i32 to vector<16xi32>
      %eq3A_421 = arith.cmpi eq, %select_n3A_306, %eq3A_420 : vector<16xi32>
      %jit3A_422 = arith.constant 0.000000e+00 : f32
      %broadcast_in_dim3A_423 = vector.broadcast %jit3A_422 : f32 to vector<16xf32>
      %select_n3A_424 = arith.select %eq3A_421, %mul3A_316, %broadcast_in_dim3A_423 : vector<16xi1>, vector<16xf32>
      %select_n3A_425 = arith.select %eq3A_418, %div3A_315, %select_n3A_424 : vector<16xi1>, vector<16xf32>
      %eq3A_426 = arith.constant 11 : i32
      %eq3A_427 = vector.broadcast %eq3A_426 : i32 to vector<16xi32>
      %eq3A_428 = arith.cmpi eq, %select_n3A_310, %eq3A_427 : vector<16xi32>
      %eq3A_429 = arith.constant 11 : i32
      %eq3A_430 = vector.broadcast %eq3A_429 : i32 to vector<16xi32>
      %eq3A_431 = arith.cmpi eq, %select_n3A_306, %eq3A_430 : vector<16xi32>
      %jit3A_432 = arith.constant 0.000000e+00 : f32
      %broadcast_in_dim3A_433 = vector.broadcast %jit3A_432 : f32 to vector<16xf32>
      %select_n3A_434 = arith.select %eq3A_431, %mul3A_316, %broadcast_in_dim3A_433 : vector<16xi1>, vector<16xf32>
      %select_n3A_435 = arith.select %eq3A_428, %div3A_315, %select_n3A_434 : vector<16xi1>, vector<16xf32>
      %eq3A_436 = arith.constant 12 : i32
      %eq3A_437 = vector.broadcast %eq3A_436 : i32 to vector<16xi32>
      %eq3A_438 = arith.cmpi eq, %select_n3A_310, %eq3A_437 : vector<16xi32>
      %eq3A_439 = arith.constant 12 : i32
      %eq3A_440 = vector.broadcast %eq3A_439 : i32 to vector<16xi32>
      %eq3A_441 = arith.cmpi eq, %select_n3A_306, %eq3A_440 : vector<16xi32>
      %jit3A_442 = arith.constant 0.000000e+00 : f32
      %broadcast_in_dim3A_443 = vector.broadcast %jit3A_442 : f32 to vector<16xf32>
      %select_n3A_444 = arith.select %eq3A_441, %mul3A_316, %broadcast_in_dim3A_443 : vector<16xi1>, vector<16xf32>
      %select_n3A_445 = arith.select %eq3A_438, %div3A_315, %select_n3A_444 : vector<16xi1>, vector<16xf32>
      %eq3A_446 = arith.constant 13 : i32
      %eq3A_447 = vector.broadcast %eq3A_446 : i32 to vector<16xi32>
      %eq3A_448 = arith.cmpi eq, %select_n3A_310, %eq3A_447 : vector<16xi32>
      %eq3A_449 = arith.constant 13 : i32
      %eq3A_450 = vector.broadcast %eq3A_449 : i32 to vector<16xi32>
      %eq3A_451 = arith.cmpi eq, %select_n3A_306, %eq3A_450 : vector<16xi32>
      %jit3A_452 = arith.constant 0.000000e+00 : f32
      %broadcast_in_dim3A_453 = vector.broadcast %jit3A_452 : f32 to vector<16xf32>
      %select_n3A_454 = arith.select %eq3A_451, %mul3A_316, %broadcast_in_dim3A_453 : vector<16xi1>, vector<16xf32>
      %select_n3A_455 = arith.select %eq3A_448, %div3A_315, %select_n3A_454 : vector<16xi1>, vector<16xf32>
      %eq3A_456 = arith.constant 14 : i32
      %eq3A_457 = vector.broadcast %eq3A_456 : i32 to vector<16xi32>
      %eq3A_458 = arith.cmpi eq, %select_n3A_310, %eq3A_457 : vector<16xi32>
      %eq3A_459 = arith.constant 14 : i32
      %eq3A_460 = vector.broadcast %eq3A_459 : i32 to vector<16xi32>
      %eq3A_461 = arith.cmpi eq, %select_n3A_306, %eq3A_460 : vector<16xi32>
      %jit3A_462 = arith.constant 0.000000e+00 : f32
      %broadcast_in_dim3A_463 = vector.broadcast %jit3A_462 : f32 to vector<16xf32>
      %select_n3A_464 = arith.select %eq3A_461, %mul3A_316, %broadcast_in_dim3A_463 : vector<16xi1>, vector<16xf32>
      %select_n3A_465 = arith.select %eq3A_458, %div3A_315, %select_n3A_464 : vector<16xi1>, vector<16xf32>
      %eq3A_466 = arith.constant 15 : i32
      %eq3A_467 = vector.broadcast %eq3A_466 : i32 to vector<16xi32>
      %eq3A_468 = arith.cmpi eq, %select_n3A_310, %eq3A_467 : vector<16xi32>
      %eq3A_469 = arith.constant 15 : i32
      %eq3A_470 = vector.broadcast %eq3A_469 : i32 to vector<16xi32>
      %eq3A_471 = arith.cmpi eq, %select_n3A_306, %eq3A_470 : vector<16xi32>
      %jit3A_472 = arith.constant 0.000000e+00 : f32
      %broadcast_in_dim3A_473 = vector.broadcast %jit3A_472 : f32 to vector<16xf32>
      %select_n3A_474 = arith.select %eq3A_471, %mul3A_316, %broadcast_in_dim3A_473 : vector<16xi1>, vector<16xf32>
      %select_n3A_475 = arith.select %eq3A_468, %div3A_315, %select_n3A_474 : vector<16xi1>, vector<16xf32>
      %and3A = arith.constant 1 : i32
      %and3A_476 = vector.broadcast %and3A : i32 to vector<16xi32>
      %and3A_477 = arith.andi %iota3A, %and3A_476 : vector<16xi32>
      %eq3A_478 = arith.constant 0 : i32
      %eq3A_479 = vector.broadcast %eq3A_478 : i32 to vector<16xi32>
      %eq3A_480 = arith.cmpi eq, %and3A_477, %eq3A_479 : vector<16xi32>
      %xor3A = arith.constant 1 : i32
      %xor3A_481 = vector.broadcast %xor3A : i32 to vector<16xi32>
      %xor3A_482 = arith.xori %iota3A, %xor3A_481 : vector<16xi32>
      %lt3A = arith.constant 0 : i32
      %lt3A_483 = vector.broadcast %lt3A : i32 to vector<16xi32>
      %lt3A_484 = arith.cmpi slt, %xor3A_482, %lt3A_483 : vector<16xi32>
      %add3A_485 = arith.constant 16 : i32
      %add3A_486 = vector.broadcast %add3A_485 : i32 to vector<16xi32>
      %add3A_487 = arith.addi %xor3A_482, %add3A_486 : vector<16xi32>
      %select_n3A_488 = arith.select %lt3A_484, %add3A_487, %xor3A_482 : vector<16xi1>, vector<16xi32>
      %broadcast_in_dim3A_489 = vector.shape_cast %select_n3A_488 : vector<16xi32> to vector<16x1xi32>
      %gather3A = vector.shape_cast %broadcast_in_dim3A_489 : vector<16x1xi32> to vector<16xi32>
      %gather3A_490 = tpu.dynamic_gather %select_n3A_335[%gather3A] in [0] : vector<16xf32>, vector<16xi32> -> vector<16xf32>
      %select_n3A_491 = arith.select %eq3A_480, %select_n3A_325, %gather3A_490 : vector<16xi1>, vector<16xf32>
      %xor3A_492 = arith.constant 1 : i32
      %xor3A_493 = vector.broadcast %xor3A_492 : i32 to vector<16xi32>
      %xor3A_494 = arith.xori %iota3A, %xor3A_493 : vector<16xi32>
      %lt3A_495 = arith.constant 0 : i32
      %lt3A_496 = vector.broadcast %lt3A_495 : i32 to vector<16xi32>
      %lt3A_497 = arith.cmpi slt, %xor3A_494, %lt3A_496 : vector<16xi32>
      %add3A_498 = arith.constant 16 : i32
      %add3A_499 = vector.broadcast %add3A_498 : i32 to vector<16xi32>
      %add3A_500 = arith.addi %xor3A_494, %add3A_499 : vector<16xi32>
      %select_n3A_501 = arith.select %lt3A_497, %add3A_500, %xor3A_494 : vector<16xi1>, vector<16xi32>
      %broadcast_in_dim3A_502 = vector.shape_cast %select_n3A_501 : vector<16xi32> to vector<16x1xi32>
      %gather3A_503 = vector.shape_cast %broadcast_in_dim3A_502 : vector<16x1xi32> to vector<16xi32>
      %gather3A_504 = tpu.dynamic_gather %select_n3A_325[%gather3A_503] in [0] : vector<16xf32>, vector<16xi32> -> vector<16xf32>
      %select_n3A_505 = arith.select %eq3A_480, %gather3A_504, %select_n3A_335 : vector<16xi1>, vector<16xf32>
      %xor3A_506 = arith.constant 1 : i32
      %xor3A_507 = vector.broadcast %xor3A_506 : i32 to vector<16xi32>
      %xor3A_508 = arith.xori %iota3A, %xor3A_507 : vector<16xi32>
      %lt3A_509 = arith.constant 0 : i32
      %lt3A_510 = vector.broadcast %lt3A_509 : i32 to vector<16xi32>
      %lt3A_511 = arith.cmpi slt, %xor3A_508, %lt3A_510 : vector<16xi32>
      %add3A_512 = arith.constant 16 : i32
      %add3A_513 = vector.broadcast %add3A_512 : i32 to vector<16xi32>
      %add3A_514 = arith.addi %xor3A_508, %add3A_513 : vector<16xi32>
      %select_n3A_515 = arith.select %lt3A_511, %add3A_514, %xor3A_508 : vector<16xi1>, vector<16xi32>
      %broadcast_in_dim3A_516 = vector.shape_cast %select_n3A_515 : vector<16xi32> to vector<16x1xi32>
      %gather3A_517 = vector.shape_cast %broadcast_in_dim3A_516 : vector<16x1xi32> to vector<16xi32>
      %gather3A_518 = tpu.dynamic_gather %select_n3A_355[%gather3A_517] in [0] : vector<16xf32>, vector<16xi32> -> vector<16xf32>
      %select_n3A_519 = arith.select %eq3A_480, %select_n3A_345, %gather3A_518 : vector<16xi1>, vector<16xf32>
      %xor3A_520 = arith.constant 1 : i32
      %xor3A_521 = vector.broadcast %xor3A_520 : i32 to vector<16xi32>
      %xor3A_522 = arith.xori %iota3A, %xor3A_521 : vector<16xi32>
      %lt3A_523 = arith.constant 0 : i32
      %lt3A_524 = vector.broadcast %lt3A_523 : i32 to vector<16xi32>
      %lt3A_525 = arith.cmpi slt, %xor3A_522, %lt3A_524 : vector<16xi32>
      %add3A_526 = arith.constant 16 : i32
      %add3A_527 = vector.broadcast %add3A_526 : i32 to vector<16xi32>
      %add3A_528 = arith.addi %xor3A_522, %add3A_527 : vector<16xi32>
      %select_n3A_529 = arith.select %lt3A_525, %add3A_528, %xor3A_522 : vector<16xi1>, vector<16xi32>
      %broadcast_in_dim3A_530 = vector.shape_cast %select_n3A_529 : vector<16xi32> to vector<16x1xi32>
      %gather3A_531 = vector.shape_cast %broadcast_in_dim3A_530 : vector<16x1xi32> to vector<16xi32>
      %gather3A_532 = tpu.dynamic_gather %select_n3A_345[%gather3A_531] in [0] : vector<16xf32>, vector<16xi32> -> vector<16xf32>
      %select_n3A_533 = arith.select %eq3A_480, %gather3A_532, %select_n3A_355 : vector<16xi1>, vector<16xf32>
      %xor3A_534 = arith.constant 1 : i32
      %xor3A_535 = vector.broadcast %xor3A_534 : i32 to vector<16xi32>
      %xor3A_536 = arith.xori %iota3A, %xor3A_535 : vector<16xi32>
      %lt3A_537 = arith.constant 0 : i32
      %lt3A_538 = vector.broadcast %lt3A_537 : i32 to vector<16xi32>
      %lt3A_539 = arith.cmpi slt, %xor3A_536, %lt3A_538 : vector<16xi32>
      %add3A_540 = arith.constant 16 : i32
      %add3A_541 = vector.broadcast %add3A_540 : i32 to vector<16xi32>
      %add3A_542 = arith.addi %xor3A_536, %add3A_541 : vector<16xi32>
      %select_n3A_543 = arith.select %lt3A_539, %add3A_542, %xor3A_536 : vector<16xi1>, vector<16xi32>
      %broadcast_in_dim3A_544 = vector.shape_cast %select_n3A_543 : vector<16xi32> to vector<16x1xi32>
      %gather3A_545 = vector.shape_cast %broadcast_in_dim3A_544 : vector<16x1xi32> to vector<16xi32>
      %gather3A_546 = tpu.dynamic_gather %select_n3A_375[%gather3A_545] in [0] : vector<16xf32>, vector<16xi32> -> vector<16xf32>
      %select_n3A_547 = arith.select %eq3A_480, %select_n3A_365, %gather3A_546 : vector<16xi1>, vector<16xf32>
      %xor3A_548 = arith.constant 1 : i32
      %xor3A_549 = vector.broadcast %xor3A_548 : i32 to vector<16xi32>
      %xor3A_550 = arith.xori %iota3A, %xor3A_549 : vector<16xi32>
      %lt3A_551 = arith.constant 0 : i32
      %lt3A_552 = vector.broadcast %lt3A_551 : i32 to vector<16xi32>
      %lt3A_553 = arith.cmpi slt, %xor3A_550, %lt3A_552 : vector<16xi32>
      %add3A_554 = arith.constant 16 : i32
      %add3A_555 = vector.broadcast %add3A_554 : i32 to vector<16xi32>
      %add3A_556 = arith.addi %xor3A_550, %add3A_555 : vector<16xi32>
      %select_n3A_557 = arith.select %lt3A_553, %add3A_556, %xor3A_550 : vector<16xi1>, vector<16xi32>
      %broadcast_in_dim3A_558 = vector.shape_cast %select_n3A_557 : vector<16xi32> to vector<16x1xi32>
      %gather3A_559 = vector.shape_cast %broadcast_in_dim3A_558 : vector<16x1xi32> to vector<16xi32>
      %gather3A_560 = tpu.dynamic_gather %select_n3A_365[%gather3A_559] in [0] : vector<16xf32>, vector<16xi32> -> vector<16xf32>
      %select_n3A_561 = arith.select %eq3A_480, %gather3A_560, %select_n3A_375 : vector<16xi1>, vector<16xf32>
      %xor3A_562 = arith.constant 1 : i32
      %xor3A_563 = vector.broadcast %xor3A_562 : i32 to vector<16xi32>
      %xor3A_564 = arith.xori %iota3A, %xor3A_563 : vector<16xi32>
      %lt3A_565 = arith.constant 0 : i32
      %lt3A_566 = vector.broadcast %lt3A_565 : i32 to vector<16xi32>
      %lt3A_567 = arith.cmpi slt, %xor3A_564, %lt3A_566 : vector<16xi32>
      %add3A_568 = arith.constant 16 : i32
      %add3A_569 = vector.broadcast %add3A_568 : i32 to vector<16xi32>
      %add3A_570 = arith.addi %xor3A_564, %add3A_569 : vector<16xi32>
      %select_n3A_571 = arith.select %lt3A_567, %add3A_570, %xor3A_564 : vector<16xi1>, vector<16xi32>
      %broadcast_in_dim3A_572 = vector.shape_cast %select_n3A_571 : vector<16xi32> to vector<16x1xi32>
      %gather3A_573 = vector.shape_cast %broadcast_in_dim3A_572 : vector<16x1xi32> to vector<16xi32>
      %gather3A_574 = tpu.dynamic_gather %select_n3A_395[%gather3A_573] in [0] : vector<16xf32>, vector<16xi32> -> vector<16xf32>
      %select_n3A_575 = arith.select %eq3A_480, %select_n3A_385, %gather3A_574 : vector<16xi1>, vector<16xf32>
      %xor3A_576 = arith.constant 1 : i32
      %xor3A_577 = vector.broadcast %xor3A_576 : i32 to vector<16xi32>
      %xor3A_578 = arith.xori %iota3A, %xor3A_577 : vector<16xi32>
      %lt3A_579 = arith.constant 0 : i32
      %lt3A_580 = vector.broadcast %lt3A_579 : i32 to vector<16xi32>
      %lt3A_581 = arith.cmpi slt, %xor3A_578, %lt3A_580 : vector<16xi32>
      %add3A_582 = arith.constant 16 : i32
      %add3A_583 = vector.broadcast %add3A_582 : i32 to vector<16xi32>
      %add3A_584 = arith.addi %xor3A_578, %add3A_583 : vector<16xi32>
      %select_n3A_585 = arith.select %lt3A_581, %add3A_584, %xor3A_578 : vector<16xi1>, vector<16xi32>
      %broadcast_in_dim3A_586 = vector.shape_cast %select_n3A_585 : vector<16xi32> to vector<16x1xi32>
      %gather3A_587 = vector.shape_cast %broadcast_in_dim3A_586 : vector<16x1xi32> to vector<16xi32>
      %gather3A_588 = tpu.dynamic_gather %select_n3A_385[%gather3A_587] in [0] : vector<16xf32>, vector<16xi32> -> vector<16xf32>
      %select_n3A_589 = arith.select %eq3A_480, %gather3A_588, %select_n3A_395 : vector<16xi1>, vector<16xf32>
      %xor3A_590 = arith.constant 1 : i32
      %xor3A_591 = vector.broadcast %xor3A_590 : i32 to vector<16xi32>
      %xor3A_592 = arith.xori %iota3A, %xor3A_591 : vector<16xi32>
      %lt3A_593 = arith.constant 0 : i32
      %lt3A_594 = vector.broadcast %lt3A_593 : i32 to vector<16xi32>
      %lt3A_595 = arith.cmpi slt, %xor3A_592, %lt3A_594 : vector<16xi32>
      %add3A_596 = arith.constant 16 : i32
      %add3A_597 = vector.broadcast %add3A_596 : i32 to vector<16xi32>
      %add3A_598 = arith.addi %xor3A_592, %add3A_597 : vector<16xi32>
      %select_n3A_599 = arith.select %lt3A_595, %add3A_598, %xor3A_592 : vector<16xi1>, vector<16xi32>
      %broadcast_in_dim3A_600 = vector.shape_cast %select_n3A_599 : vector<16xi32> to vector<16x1xi32>
      %gather3A_601 = vector.shape_cast %broadcast_in_dim3A_600 : vector<16x1xi32> to vector<16xi32>
      %gather3A_602 = tpu.dynamic_gather %select_n3A_415[%gather3A_601] in [0] : vector<16xf32>, vector<16xi32> -> vector<16xf32>
      %select_n3A_603 = arith.select %eq3A_480, %select_n3A_405, %gather3A_602 : vector<16xi1>, vector<16xf32>
      %xor3A_604 = arith.constant 1 : i32
      %xor3A_605 = vector.broadcast %xor3A_604 : i32 to vector<16xi32>
      %xor3A_606 = arith.xori %iota3A, %xor3A_605 : vector<16xi32>
      %lt3A_607 = arith.constant 0 : i32
      %lt3A_608 = vector.broadcast %lt3A_607 : i32 to vector<16xi32>
      %lt3A_609 = arith.cmpi slt, %xor3A_606, %lt3A_608 : vector<16xi32>
      %add3A_610 = arith.constant 16 : i32
      %add3A_611 = vector.broadcast %add3A_610 : i32 to vector<16xi32>
      %add3A_612 = arith.addi %xor3A_606, %add3A_611 : vector<16xi32>
      %select_n3A_613 = arith.select %lt3A_609, %add3A_612, %xor3A_606 : vector<16xi1>, vector<16xi32>
      %broadcast_in_dim3A_614 = vector.shape_cast %select_n3A_613 : vector<16xi32> to vector<16x1xi32>
      %gather3A_615 = vector.shape_cast %broadcast_in_dim3A_614 : vector<16x1xi32> to vector<16xi32>
      %gather3A_616 = tpu.dynamic_gather %select_n3A_405[%gather3A_615] in [0] : vector<16xf32>, vector<16xi32> -> vector<16xf32>
      %select_n3A_617 = arith.select %eq3A_480, %gather3A_616, %select_n3A_415 : vector<16xi1>, vector<16xf32>
      %xor3A_618 = arith.constant 1 : i32
      %xor3A_619 = vector.broadcast %xor3A_618 : i32 to vector<16xi32>
      %xor3A_620 = arith.xori %iota3A, %xor3A_619 : vector<16xi32>
      %lt3A_621 = arith.constant 0 : i32
      %lt3A_622 = vector.broadcast %lt3A_621 : i32 to vector<16xi32>
      %lt3A_623 = arith.cmpi slt, %xor3A_620, %lt3A_622 : vector<16xi32>
      %add3A_624 = arith.constant 16 : i32
      %add3A_625 = vector.broadcast %add3A_624 : i32 to vector<16xi32>
      %add3A_626 = arith.addi %xor3A_620, %add3A_625 : vector<16xi32>
      %select_n3A_627 = arith.select %lt3A_623, %add3A_626, %xor3A_620 : vector<16xi1>, vector<16xi32>
      %broadcast_in_dim3A_628 = vector.shape_cast %select_n3A_627 : vector<16xi32> to vector<16x1xi32>
      %gather3A_629 = vector.shape_cast %broadcast_in_dim3A_628 : vector<16x1xi32> to vector<16xi32>
      %gather3A_630 = tpu.dynamic_gather %select_n3A_435[%gather3A_629] in [0] : vector<16xf32>, vector<16xi32> -> vector<16xf32>
      %select_n3A_631 = arith.select %eq3A_480, %select_n3A_425, %gather3A_630 : vector<16xi1>, vector<16xf32>
      %xor3A_632 = arith.constant 1 : i32
      %xor3A_633 = vector.broadcast %xor3A_632 : i32 to vector<16xi32>
      %xor3A_634 = arith.xori %iota3A, %xor3A_633 : vector<16xi32>
      %lt3A_635 = arith.constant 0 : i32
      %lt3A_636 = vector.broadcast %lt3A_635 : i32 to vector<16xi32>
      %lt3A_637 = arith.cmpi slt, %xor3A_634, %lt3A_636 : vector<16xi32>
      %add3A_638 = arith.constant 16 : i32
      %add3A_639 = vector.broadcast %add3A_638 : i32 to vector<16xi32>
      %add3A_640 = arith.addi %xor3A_634, %add3A_639 : vector<16xi32>
      %select_n3A_641 = arith.select %lt3A_637, %add3A_640, %xor3A_634 : vector<16xi1>, vector<16xi32>
      %broadcast_in_dim3A_642 = vector.shape_cast %select_n3A_641 : vector<16xi32> to vector<16x1xi32>
      %gather3A_643 = vector.shape_cast %broadcast_in_dim3A_642 : vector<16x1xi32> to vector<16xi32>
      %gather3A_644 = tpu.dynamic_gather %select_n3A_425[%gather3A_643] in [0] : vector<16xf32>, vector<16xi32> -> vector<16xf32>
      %select_n3A_645 = arith.select %eq3A_480, %gather3A_644, %select_n3A_435 : vector<16xi1>, vector<16xf32>
      %xor3A_646 = arith.constant 1 : i32
      %xor3A_647 = vector.broadcast %xor3A_646 : i32 to vector<16xi32>
      %xor3A_648 = arith.xori %iota3A, %xor3A_647 : vector<16xi32>
      %lt3A_649 = arith.constant 0 : i32
      %lt3A_650 = vector.broadcast %lt3A_649 : i32 to vector<16xi32>
      %lt3A_651 = arith.cmpi slt, %xor3A_648, %lt3A_650 : vector<16xi32>
      %add3A_652 = arith.constant 16 : i32
      %add3A_653 = vector.broadcast %add3A_652 : i32 to vector<16xi32>
      %add3A_654 = arith.addi %xor3A_648, %add3A_653 : vector<16xi32>
      %select_n3A_655 = arith.select %lt3A_651, %add3A_654, %xor3A_648 : vector<16xi1>, vector<16xi32>
      %broadcast_in_dim3A_656 = vector.shape_cast %select_n3A_655 : vector<16xi32> to vector<16x1xi32>
      %gather3A_657 = vector.shape_cast %broadcast_in_dim3A_656 : vector<16x1xi32> to vector<16xi32>
      %gather3A_658 = tpu.dynamic_gather %select_n3A_455[%gather3A_657] in [0] : vector<16xf32>, vector<16xi32> -> vector<16xf32>
      %select_n3A_659 = arith.select %eq3A_480, %select_n3A_445, %gather3A_658 : vector<16xi1>, vector<16xf32>
      %xor3A_660 = arith.constant 1 : i32
      %xor3A_661 = vector.broadcast %xor3A_660 : i32 to vector<16xi32>
      %xor3A_662 = arith.xori %iota3A, %xor3A_661 : vector<16xi32>
      %lt3A_663 = arith.constant 0 : i32
      %lt3A_664 = vector.broadcast %lt3A_663 : i32 to vector<16xi32>
      %lt3A_665 = arith.cmpi slt, %xor3A_662, %lt3A_664 : vector<16xi32>
      %add3A_666 = arith.constant 16 : i32
      %add3A_667 = vector.broadcast %add3A_666 : i32 to vector<16xi32>
      %add3A_668 = arith.addi %xor3A_662, %add3A_667 : vector<16xi32>
      %select_n3A_669 = arith.select %lt3A_665, %add3A_668, %xor3A_662 : vector<16xi1>, vector<16xi32>
      %broadcast_in_dim3A_670 = vector.shape_cast %select_n3A_669 : vector<16xi32> to vector<16x1xi32>
      %gather3A_671 = vector.shape_cast %broadcast_in_dim3A_670 : vector<16x1xi32> to vector<16xi32>
      %gather3A_672 = tpu.dynamic_gather %select_n3A_445[%gather3A_671] in [0] : vector<16xf32>, vector<16xi32> -> vector<16xf32>
      %select_n3A_673 = arith.select %eq3A_480, %gather3A_672, %select_n3A_455 : vector<16xi1>, vector<16xf32>
      %xor3A_674 = arith.constant 1 : i32
      %xor3A_675 = vector.broadcast %xor3A_674 : i32 to vector<16xi32>
      %xor3A_676 = arith.xori %iota3A, %xor3A_675 : vector<16xi32>
      %lt3A_677 = arith.constant 0 : i32
      %lt3A_678 = vector.broadcast %lt3A_677 : i32 to vector<16xi32>
      %lt3A_679 = arith.cmpi slt, %xor3A_676, %lt3A_678 : vector<16xi32>
      %add3A_680 = arith.constant 16 : i32
      %add3A_681 = vector.broadcast %add3A_680 : i32 to vector<16xi32>
      %add3A_682 = arith.addi %xor3A_676, %add3A_681 : vector<16xi32>
      %select_n3A_683 = arith.select %lt3A_679, %add3A_682, %xor3A_676 : vector<16xi1>, vector<16xi32>
      %broadcast_in_dim3A_684 = vector.shape_cast %select_n3A_683 : vector<16xi32> to vector<16x1xi32>
      %gather3A_685 = vector.shape_cast %broadcast_in_dim3A_684 : vector<16x1xi32> to vector<16xi32>
      %gather3A_686 = tpu.dynamic_gather %select_n3A_475[%gather3A_685] in [0] : vector<16xf32>, vector<16xi32> -> vector<16xf32>
      %select_n3A_687 = arith.select %eq3A_480, %select_n3A_465, %gather3A_686 : vector<16xi1>, vector<16xf32>
      %xor3A_688 = arith.constant 1 : i32
      %xor3A_689 = vector.broadcast %xor3A_688 : i32 to vector<16xi32>
      %xor3A_690 = arith.xori %iota3A, %xor3A_689 : vector<16xi32>
      %lt3A_691 = arith.constant 0 : i32
      %lt3A_692 = vector.broadcast %lt3A_691 : i32 to vector<16xi32>
      %lt3A_693 = arith.cmpi slt, %xor3A_690, %lt3A_692 : vector<16xi32>
      %add3A_694 = arith.constant 16 : i32
      %add3A_695 = vector.broadcast %add3A_694 : i32 to vector<16xi32>
      %add3A_696 = arith.addi %xor3A_690, %add3A_695 : vector<16xi32>
      %select_n3A_697 = arith.select %lt3A_693, %add3A_696, %xor3A_690 : vector<16xi1>, vector<16xi32>
      %broadcast_in_dim3A_698 = vector.shape_cast %select_n3A_697 : vector<16xi32> to vector<16x1xi32>
      %gather3A_699 = vector.shape_cast %broadcast_in_dim3A_698 : vector<16x1xi32> to vector<16xi32>
      %gather3A_700 = tpu.dynamic_gather %select_n3A_465[%gather3A_699] in [0] : vector<16xf32>, vector<16xi32> -> vector<16xf32>
      %select_n3A_701 = arith.select %eq3A_480, %gather3A_700, %select_n3A_475 : vector<16xi1>, vector<16xf32>
      %and3A_702 = arith.constant 2 : i32
      %and3A_703 = vector.broadcast %and3A_702 : i32 to vector<16xi32>
      %and3A_704 = arith.andi %iota3A, %and3A_703 : vector<16xi32>
      %eq3A_705 = arith.constant 0 : i32
      %eq3A_706 = vector.broadcast %eq3A_705 : i32 to vector<16xi32>
      %eq3A_707 = arith.cmpi eq, %and3A_704, %eq3A_706 : vector<16xi32>
      %xor3A_708 = arith.constant 2 : i32
      %xor3A_709 = vector.broadcast %xor3A_708 : i32 to vector<16xi32>
      %xor3A_710 = arith.xori %iota3A, %xor3A_709 : vector<16xi32>
      %lt3A_711 = arith.constant 0 : i32
      %lt3A_712 = vector.broadcast %lt3A_711 : i32 to vector<16xi32>
      %lt3A_713 = arith.cmpi slt, %xor3A_710, %lt3A_712 : vector<16xi32>
      %add3A_714 = arith.constant 16 : i32
      %add3A_715 = vector.broadcast %add3A_714 : i32 to vector<16xi32>
      %add3A_716 = arith.addi %xor3A_710, %add3A_715 : vector<16xi32>
      %select_n3A_717 = arith.select %lt3A_713, %add3A_716, %xor3A_710 : vector<16xi1>, vector<16xi32>
      %broadcast_in_dim3A_718 = vector.shape_cast %select_n3A_717 : vector<16xi32> to vector<16x1xi32>
      %gather3A_719 = vector.shape_cast %broadcast_in_dim3A_718 : vector<16x1xi32> to vector<16xi32>
      %gather3A_720 = tpu.dynamic_gather %select_n3A_519[%gather3A_719] in [0] : vector<16xf32>, vector<16xi32> -> vector<16xf32>
      %select_n3A_721 = arith.select %eq3A_707, %select_n3A_491, %gather3A_720 : vector<16xi1>, vector<16xf32>
      %xor3A_722 = arith.constant 2 : i32
      %xor3A_723 = vector.broadcast %xor3A_722 : i32 to vector<16xi32>
      %xor3A_724 = arith.xori %iota3A, %xor3A_723 : vector<16xi32>
      %lt3A_725 = arith.constant 0 : i32
      %lt3A_726 = vector.broadcast %lt3A_725 : i32 to vector<16xi32>
      %lt3A_727 = arith.cmpi slt, %xor3A_724, %lt3A_726 : vector<16xi32>
      %add3A_728 = arith.constant 16 : i32
      %add3A_729 = vector.broadcast %add3A_728 : i32 to vector<16xi32>
      %add3A_730 = arith.addi %xor3A_724, %add3A_729 : vector<16xi32>
      %select_n3A_731 = arith.select %lt3A_727, %add3A_730, %xor3A_724 : vector<16xi1>, vector<16xi32>
      %broadcast_in_dim3A_732 = vector.shape_cast %select_n3A_731 : vector<16xi32> to vector<16x1xi32>
      %gather3A_733 = vector.shape_cast %broadcast_in_dim3A_732 : vector<16x1xi32> to vector<16xi32>
      %gather3A_734 = tpu.dynamic_gather %select_n3A_491[%gather3A_733] in [0] : vector<16xf32>, vector<16xi32> -> vector<16xf32>
      %select_n3A_735 = arith.select %eq3A_707, %gather3A_734, %select_n3A_519 : vector<16xi1>, vector<16xf32>
      %xor3A_736 = arith.constant 2 : i32
      %xor3A_737 = vector.broadcast %xor3A_736 : i32 to vector<16xi32>
      %xor3A_738 = arith.xori %iota3A, %xor3A_737 : vector<16xi32>
      %lt3A_739 = arith.constant 0 : i32
      %lt3A_740 = vector.broadcast %lt3A_739 : i32 to vector<16xi32>
      %lt3A_741 = arith.cmpi slt, %xor3A_738, %lt3A_740 : vector<16xi32>
      %add3A_742 = arith.constant 16 : i32
      %add3A_743 = vector.broadcast %add3A_742 : i32 to vector<16xi32>
      %add3A_744 = arith.addi %xor3A_738, %add3A_743 : vector<16xi32>
      %select_n3A_745 = arith.select %lt3A_741, %add3A_744, %xor3A_738 : vector<16xi1>, vector<16xi32>
      %broadcast_in_dim3A_746 = vector.shape_cast %select_n3A_745 : vector<16xi32> to vector<16x1xi32>
      %gather3A_747 = vector.shape_cast %broadcast_in_dim3A_746 : vector<16x1xi32> to vector<16xi32>
      %gather3A_748 = tpu.dynamic_gather %select_n3A_533[%gather3A_747] in [0] : vector<16xf32>, vector<16xi32> -> vector<16xf32>
      %select_n3A_749 = arith.select %eq3A_707, %select_n3A_505, %gather3A_748 : vector<16xi1>, vector<16xf32>
      %xor3A_750 = arith.constant 2 : i32
      %xor3A_751 = vector.broadcast %xor3A_750 : i32 to vector<16xi32>
      %xor3A_752 = arith.xori %iota3A, %xor3A_751 : vector<16xi32>
      %lt3A_753 = arith.constant 0 : i32
      %lt3A_754 = vector.broadcast %lt3A_753 : i32 to vector<16xi32>
      %lt3A_755 = arith.cmpi slt, %xor3A_752, %lt3A_754 : vector<16xi32>
      %add3A_756 = arith.constant 16 : i32
      %add3A_757 = vector.broadcast %add3A_756 : i32 to vector<16xi32>
      %add3A_758 = arith.addi %xor3A_752, %add3A_757 : vector<16xi32>
      %select_n3A_759 = arith.select %lt3A_755, %add3A_758, %xor3A_752 : vector<16xi1>, vector<16xi32>
      %broadcast_in_dim3A_760 = vector.shape_cast %select_n3A_759 : vector<16xi32> to vector<16x1xi32>
      %gather3A_761 = vector.shape_cast %broadcast_in_dim3A_760 : vector<16x1xi32> to vector<16xi32>
      %gather3A_762 = tpu.dynamic_gather %select_n3A_505[%gather3A_761] in [0] : vector<16xf32>, vector<16xi32> -> vector<16xf32>
      %select_n3A_763 = arith.select %eq3A_707, %gather3A_762, %select_n3A_533 : vector<16xi1>, vector<16xf32>
      %xor3A_764 = arith.constant 2 : i32
      %xor3A_765 = vector.broadcast %xor3A_764 : i32 to vector<16xi32>
      %xor3A_766 = arith.xori %iota3A, %xor3A_765 : vector<16xi32>
      %lt3A_767 = arith.constant 0 : i32
      %lt3A_768 = vector.broadcast %lt3A_767 : i32 to vector<16xi32>
      %lt3A_769 = arith.cmpi slt, %xor3A_766, %lt3A_768 : vector<16xi32>
      %add3A_770 = arith.constant 16 : i32
      %add3A_771 = vector.broadcast %add3A_770 : i32 to vector<16xi32>
      %add3A_772 = arith.addi %xor3A_766, %add3A_771 : vector<16xi32>
      %select_n3A_773 = arith.select %lt3A_769, %add3A_772, %xor3A_766 : vector<16xi1>, vector<16xi32>
      %broadcast_in_dim3A_774 = vector.shape_cast %select_n3A_773 : vector<16xi32> to vector<16x1xi32>
      %gather3A_775 = vector.shape_cast %broadcast_in_dim3A_774 : vector<16x1xi32> to vector<16xi32>
      %gather3A_776 = tpu.dynamic_gather %select_n3A_575[%gather3A_775] in [0] : vector<16xf32>, vector<16xi32> -> vector<16xf32>
      %select_n3A_777 = arith.select %eq3A_707, %select_n3A_547, %gather3A_776 : vector<16xi1>, vector<16xf32>
      %xor3A_778 = arith.constant 2 : i32
      %xor3A_779 = vector.broadcast %xor3A_778 : i32 to vector<16xi32>
      %xor3A_780 = arith.xori %iota3A, %xor3A_779 : vector<16xi32>
      %lt3A_781 = arith.constant 0 : i32
      %lt3A_782 = vector.broadcast %lt3A_781 : i32 to vector<16xi32>
      %lt3A_783 = arith.cmpi slt, %xor3A_780, %lt3A_782 : vector<16xi32>
      %add3A_784 = arith.constant 16 : i32
      %add3A_785 = vector.broadcast %add3A_784 : i32 to vector<16xi32>
      %add3A_786 = arith.addi %xor3A_780, %add3A_785 : vector<16xi32>
      %select_n3A_787 = arith.select %lt3A_783, %add3A_786, %xor3A_780 : vector<16xi1>, vector<16xi32>
      %broadcast_in_dim3A_788 = vector.shape_cast %select_n3A_787 : vector<16xi32> to vector<16x1xi32>
      %gather3A_789 = vector.shape_cast %broadcast_in_dim3A_788 : vector<16x1xi32> to vector<16xi32>
      %gather3A_790 = tpu.dynamic_gather %select_n3A_547[%gather3A_789] in [0] : vector<16xf32>, vector<16xi32> -> vector<16xf32>
      %select_n3A_791 = arith.select %eq3A_707, %gather3A_790, %select_n3A_575 : vector<16xi1>, vector<16xf32>
      %xor3A_792 = arith.constant 2 : i32
      %xor3A_793 = vector.broadcast %xor3A_792 : i32 to vector<16xi32>
      %xor3A_794 = arith.xori %iota3A, %xor3A_793 : vector<16xi32>
      %lt3A_795 = arith.constant 0 : i32
      %lt3A_796 = vector.broadcast %lt3A_795 : i32 to vector<16xi32>
      %lt3A_797 = arith.cmpi slt, %xor3A_794, %lt3A_796 : vector<16xi32>
      %add3A_798 = arith.constant 16 : i32
      %add3A_799 = vector.broadcast %add3A_798 : i32 to vector<16xi32>
      %add3A_800 = arith.addi %xor3A_794, %add3A_799 : vector<16xi32>
      %select_n3A_801 = arith.select %lt3A_797, %add3A_800, %xor3A_794 : vector<16xi1>, vector<16xi32>
      %broadcast_in_dim3A_802 = vector.shape_cast %select_n3A_801 : vector<16xi32> to vector<16x1xi32>
      %gather3A_803 = vector.shape_cast %broadcast_in_dim3A_802 : vector<16x1xi32> to vector<16xi32>
      %gather3A_804 = tpu.dynamic_gather %select_n3A_589[%gather3A_803] in [0] : vector<16xf32>, vector<16xi32> -> vector<16xf32>
      %select_n3A_805 = arith.select %eq3A_707, %select_n3A_561, %gather3A_804 : vector<16xi1>, vector<16xf32>
      %xor3A_806 = arith.constant 2 : i32
      %xor3A_807 = vector.broadcast %xor3A_806 : i32 to vector<16xi32>
      %xor3A_808 = arith.xori %iota3A, %xor3A_807 : vector<16xi32>
      %lt3A_809 = arith.constant 0 : i32
      %lt3A_810 = vector.broadcast %lt3A_809 : i32 to vector<16xi32>
      %lt3A_811 = arith.cmpi slt, %xor3A_808, %lt3A_810 : vector<16xi32>
      %add3A_812 = arith.constant 16 : i32
      %add3A_813 = vector.broadcast %add3A_812 : i32 to vector<16xi32>
      %add3A_814 = arith.addi %xor3A_808, %add3A_813 : vector<16xi32>
      %select_n3A_815 = arith.select %lt3A_811, %add3A_814, %xor3A_808 : vector<16xi1>, vector<16xi32>
      %broadcast_in_dim3A_816 = vector.shape_cast %select_n3A_815 : vector<16xi32> to vector<16x1xi32>
      %gather3A_817 = vector.shape_cast %broadcast_in_dim3A_816 : vector<16x1xi32> to vector<16xi32>
      %gather3A_818 = tpu.dynamic_gather %select_n3A_561[%gather3A_817] in [0] : vector<16xf32>, vector<16xi32> -> vector<16xf32>
      %select_n3A_819 = arith.select %eq3A_707, %gather3A_818, %select_n3A_589 : vector<16xi1>, vector<16xf32>
      %xor3A_820 = arith.constant 2 : i32
      %xor3A_821 = vector.broadcast %xor3A_820 : i32 to vector<16xi32>
      %xor3A_822 = arith.xori %iota3A, %xor3A_821 : vector<16xi32>
      %lt3A_823 = arith.constant 0 : i32
      %lt3A_824 = vector.broadcast %lt3A_823 : i32 to vector<16xi32>
      %lt3A_825 = arith.cmpi slt, %xor3A_822, %lt3A_824 : vector<16xi32>
      %add3A_826 = arith.constant 16 : i32
      %add3A_827 = vector.broadcast %add3A_826 : i32 to vector<16xi32>
      %add3A_828 = arith.addi %xor3A_822, %add3A_827 : vector<16xi32>
      %select_n3A_829 = arith.select %lt3A_825, %add3A_828, %xor3A_822 : vector<16xi1>, vector<16xi32>
      %broadcast_in_dim3A_830 = vector.shape_cast %select_n3A_829 : vector<16xi32> to vector<16x1xi32>
      %gather3A_831 = vector.shape_cast %broadcast_in_dim3A_830 : vector<16x1xi32> to vector<16xi32>
      %gather3A_832 = tpu.dynamic_gather %select_n3A_631[%gather3A_831] in [0] : vector<16xf32>, vector<16xi32> -> vector<16xf32>
      %select_n3A_833 = arith.select %eq3A_707, %select_n3A_603, %gather3A_832 : vector<16xi1>, vector<16xf32>
      %xor3A_834 = arith.constant 2 : i32
      %xor3A_835 = vector.broadcast %xor3A_834 : i32 to vector<16xi32>
      %xor3A_836 = arith.xori %iota3A, %xor3A_835 : vector<16xi32>
      %lt3A_837 = arith.constant 0 : i32
      %lt3A_838 = vector.broadcast %lt3A_837 : i32 to vector<16xi32>
      %lt3A_839 = arith.cmpi slt, %xor3A_836, %lt3A_838 : vector<16xi32>
      %add3A_840 = arith.constant 16 : i32
      %add3A_841 = vector.broadcast %add3A_840 : i32 to vector<16xi32>
      %add3A_842 = arith.addi %xor3A_836, %add3A_841 : vector<16xi32>
      %select_n3A_843 = arith.select %lt3A_839, %add3A_842, %xor3A_836 : vector<16xi1>, vector<16xi32>
      %broadcast_in_dim3A_844 = vector.shape_cast %select_n3A_843 : vector<16xi32> to vector<16x1xi32>
      %gather3A_845 = vector.shape_cast %broadcast_in_dim3A_844 : vector<16x1xi32> to vector<16xi32>
      %gather3A_846 = tpu.dynamic_gather %select_n3A_603[%gather3A_845] in [0] : vector<16xf32>, vector<16xi32> -> vector<16xf32>
      %select_n3A_847 = arith.select %eq3A_707, %gather3A_846, %select_n3A_631 : vector<16xi1>, vector<16xf32>
      %xor3A_848 = arith.constant 2 : i32
      %xor3A_849 = vector.broadcast %xor3A_848 : i32 to vector<16xi32>
      %xor3A_850 = arith.xori %iota3A, %xor3A_849 : vector<16xi32>
      %lt3A_851 = arith.constant 0 : i32
      %lt3A_852 = vector.broadcast %lt3A_851 : i32 to vector<16xi32>
      %lt3A_853 = arith.cmpi slt, %xor3A_850, %lt3A_852 : vector<16xi32>
      %add3A_854 = arith.constant 16 : i32
      %add3A_855 = vector.broadcast %add3A_854 : i32 to vector<16xi32>
      %add3A_856 = arith.addi %xor3A_850, %add3A_855 : vector<16xi32>
      %select_n3A_857 = arith.select %lt3A_853, %add3A_856, %xor3A_850 : vector<16xi1>, vector<16xi32>
      %broadcast_in_dim3A_858 = vector.shape_cast %select_n3A_857 : vector<16xi32> to vector<16x1xi32>
      %gather3A_859 = vector.shape_cast %broadcast_in_dim3A_858 : vector<16x1xi32> to vector<16xi32>
      %gather3A_860 = tpu.dynamic_gather %select_n3A_645[%gather3A_859] in [0] : vector<16xf32>, vector<16xi32> -> vector<16xf32>
      %select_n3A_861 = arith.select %eq3A_707, %select_n3A_617, %gather3A_860 : vector<16xi1>, vector<16xf32>
      %xor3A_862 = arith.constant 2 : i32
      %xor3A_863 = vector.broadcast %xor3A_862 : i32 to vector<16xi32>
      %xor3A_864 = arith.xori %iota3A, %xor3A_863 : vector<16xi32>
      %lt3A_865 = arith.constant 0 : i32
      %lt3A_866 = vector.broadcast %lt3A_865 : i32 to vector<16xi32>
      %lt3A_867 = arith.cmpi slt, %xor3A_864, %lt3A_866 : vector<16xi32>
      %add3A_868 = arith.constant 16 : i32
      %add3A_869 = vector.broadcast %add3A_868 : i32 to vector<16xi32>
      %add3A_870 = arith.addi %xor3A_864, %add3A_869 : vector<16xi32>
      %select_n3A_871 = arith.select %lt3A_867, %add3A_870, %xor3A_864 : vector<16xi1>, vector<16xi32>
      %broadcast_in_dim3A_872 = vector.shape_cast %select_n3A_871 : vector<16xi32> to vector<16x1xi32>
      %gather3A_873 = vector.shape_cast %broadcast_in_dim3A_872 : vector<16x1xi32> to vector<16xi32>
      %gather3A_874 = tpu.dynamic_gather %select_n3A_617[%gather3A_873] in [0] : vector<16xf32>, vector<16xi32> -> vector<16xf32>
      %select_n3A_875 = arith.select %eq3A_707, %gather3A_874, %select_n3A_645 : vector<16xi1>, vector<16xf32>
      %xor3A_876 = arith.constant 2 : i32
      %xor3A_877 = vector.broadcast %xor3A_876 : i32 to vector<16xi32>
      %xor3A_878 = arith.xori %iota3A, %xor3A_877 : vector<16xi32>
      %lt3A_879 = arith.constant 0 : i32
      %lt3A_880 = vector.broadcast %lt3A_879 : i32 to vector<16xi32>
      %lt3A_881 = arith.cmpi slt, %xor3A_878, %lt3A_880 : vector<16xi32>
      %add3A_882 = arith.constant 16 : i32
      %add3A_883 = vector.broadcast %add3A_882 : i32 to vector<16xi32>
      %add3A_884 = arith.addi %xor3A_878, %add3A_883 : vector<16xi32>
      %select_n3A_885 = arith.select %lt3A_881, %add3A_884, %xor3A_878 : vector<16xi1>, vector<16xi32>
      %broadcast_in_dim3A_886 = vector.shape_cast %select_n3A_885 : vector<16xi32> to vector<16x1xi32>
      %gather3A_887 = vector.shape_cast %broadcast_in_dim3A_886 : vector<16x1xi32> to vector<16xi32>
      %gather3A_888 = tpu.dynamic_gather %select_n3A_687[%gather3A_887] in [0] : vector<16xf32>, vector<16xi32> -> vector<16xf32>
      %select_n3A_889 = arith.select %eq3A_707, %select_n3A_659, %gather3A_888 : vector<16xi1>, vector<16xf32>
      %xor3A_890 = arith.constant 2 : i32
      %xor3A_891 = vector.broadcast %xor3A_890 : i32 to vector<16xi32>
      %xor3A_892 = arith.xori %iota3A, %xor3A_891 : vector<16xi32>
      %lt3A_893 = arith.constant 0 : i32
      %lt3A_894 = vector.broadcast %lt3A_893 : i32 to vector<16xi32>
      %lt3A_895 = arith.cmpi slt, %xor3A_892, %lt3A_894 : vector<16xi32>
      %add3A_896 = arith.constant 16 : i32
      %add3A_897 = vector.broadcast %add3A_896 : i32 to vector<16xi32>
      %add3A_898 = arith.addi %xor3A_892, %add3A_897 : vector<16xi32>
      %select_n3A_899 = arith.select %lt3A_895, %add3A_898, %xor3A_892 : vector<16xi1>, vector<16xi32>
      %broadcast_in_dim3A_900 = vector.shape_cast %select_n3A_899 : vector<16xi32> to vector<16x1xi32>
      %gather3A_901 = vector.shape_cast %broadcast_in_dim3A_900 : vector<16x1xi32> to vector<16xi32>
      %gather3A_902 = tpu.dynamic_gather %select_n3A_659[%gather3A_901] in [0] : vector<16xf32>, vector<16xi32> -> vector<16xf32>
      %select_n3A_903 = arith.select %eq3A_707, %gather3A_902, %select_n3A_687 : vector<16xi1>, vector<16xf32>
      %xor3A_904 = arith.constant 2 : i32
      %xor3A_905 = vector.broadcast %xor3A_904 : i32 to vector<16xi32>
      %xor3A_906 = arith.xori %iota3A, %xor3A_905 : vector<16xi32>
      %lt3A_907 = arith.constant 0 : i32
      %lt3A_908 = vector.broadcast %lt3A_907 : i32 to vector<16xi32>
      %lt3A_909 = arith.cmpi slt, %xor3A_906, %lt3A_908 : vector<16xi32>
      %add3A_910 = arith.constant 16 : i32
      %add3A_911 = vector.broadcast %add3A_910 : i32 to vector<16xi32>
      %add3A_912 = arith.addi %xor3A_906, %add3A_911 : vector<16xi32>
      %select_n3A_913 = arith.select %lt3A_909, %add3A_912, %xor3A_906 : vector<16xi1>, vector<16xi32>
      %broadcast_in_dim3A_914 = vector.shape_cast %select_n3A_913 : vector<16xi32> to vector<16x1xi32>
      %gather3A_915 = vector.shape_cast %broadcast_in_dim3A_914 : vector<16x1xi32> to vector<16xi32>
      %gather3A_916 = tpu.dynamic_gather %select_n3A_701[%gather3A_915] in [0] : vector<16xf32>, vector<16xi32> -> vector<16xf32>
      %select_n3A_917 = arith.select %eq3A_707, %select_n3A_673, %gather3A_916 : vector<16xi1>, vector<16xf32>
      %xor3A_918 = arith.constant 2 : i32
      %xor3A_919 = vector.broadcast %xor3A_918 : i32 to vector<16xi32>
      %xor3A_920 = arith.xori %iota3A, %xor3A_919 : vector<16xi32>
      %lt3A_921 = arith.constant 0 : i32
      %lt3A_922 = vector.broadcast %lt3A_921 : i32 to vector<16xi32>
      %lt3A_923 = arith.cmpi slt, %xor3A_920, %lt3A_922 : vector<16xi32>
      %add3A_924 = arith.constant 16 : i32
      %add3A_925 = vector.broadcast %add3A_924 : i32 to vector<16xi32>
      %add3A_926 = arith.addi %xor3A_920, %add3A_925 : vector<16xi32>
      %select_n3A_927 = arith.select %lt3A_923, %add3A_926, %xor3A_920 : vector<16xi1>, vector<16xi32>
      %broadcast_in_dim3A_928 = vector.shape_cast %select_n3A_927 : vector<16xi32> to vector<16x1xi32>
      %gather3A_929 = vector.shape_cast %broadcast_in_dim3A_928 : vector<16x1xi32> to vector<16xi32>
      %gather3A_930 = tpu.dynamic_gather %select_n3A_673[%gather3A_929] in [0] : vector<16xf32>, vector<16xi32> -> vector<16xf32>
      %select_n3A_931 = arith.select %eq3A_707, %gather3A_930, %select_n3A_701 : vector<16xi1>, vector<16xf32>
      %and3A_932 = arith.constant 4 : i32
      %and3A_933 = vector.broadcast %and3A_932 : i32 to vector<16xi32>
      %and3A_934 = arith.andi %iota3A, %and3A_933 : vector<16xi32>
      %eq3A_935 = arith.constant 0 : i32
      %eq3A_936 = vector.broadcast %eq3A_935 : i32 to vector<16xi32>
      %eq3A_937 = arith.cmpi eq, %and3A_934, %eq3A_936 : vector<16xi32>
      %xor3A_938 = arith.constant 4 : i32
      %xor3A_939 = vector.broadcast %xor3A_938 : i32 to vector<16xi32>
      %xor3A_940 = arith.xori %iota3A, %xor3A_939 : vector<16xi32>
      %lt3A_941 = arith.constant 0 : i32
      %lt3A_942 = vector.broadcast %lt3A_941 : i32 to vector<16xi32>
      %lt3A_943 = arith.cmpi slt, %xor3A_940, %lt3A_942 : vector<16xi32>
      %add3A_944 = arith.constant 16 : i32
      %add3A_945 = vector.broadcast %add3A_944 : i32 to vector<16xi32>
      %add3A_946 = arith.addi %xor3A_940, %add3A_945 : vector<16xi32>
      %select_n3A_947 = arith.select %lt3A_943, %add3A_946, %xor3A_940 : vector<16xi1>, vector<16xi32>
      %broadcast_in_dim3A_948 = vector.shape_cast %select_n3A_947 : vector<16xi32> to vector<16x1xi32>
      %gather3A_949 = vector.shape_cast %broadcast_in_dim3A_948 : vector<16x1xi32> to vector<16xi32>
      %gather3A_950 = tpu.dynamic_gather %select_n3A_777[%gather3A_949] in [0] : vector<16xf32>, vector<16xi32> -> vector<16xf32>
      %select_n3A_951 = arith.select %eq3A_937, %select_n3A_721, %gather3A_950 : vector<16xi1>, vector<16xf32>
      %xor3A_952 = arith.constant 4 : i32
      %xor3A_953 = vector.broadcast %xor3A_952 : i32 to vector<16xi32>
      %xor3A_954 = arith.xori %iota3A, %xor3A_953 : vector<16xi32>
      %lt3A_955 = arith.constant 0 : i32
      %lt3A_956 = vector.broadcast %lt3A_955 : i32 to vector<16xi32>
      %lt3A_957 = arith.cmpi slt, %xor3A_954, %lt3A_956 : vector<16xi32>
      %add3A_958 = arith.constant 16 : i32
      %add3A_959 = vector.broadcast %add3A_958 : i32 to vector<16xi32>
      %add3A_960 = arith.addi %xor3A_954, %add3A_959 : vector<16xi32>
      %select_n3A_961 = arith.select %lt3A_957, %add3A_960, %xor3A_954 : vector<16xi1>, vector<16xi32>
      %broadcast_in_dim3A_962 = vector.shape_cast %select_n3A_961 : vector<16xi32> to vector<16x1xi32>
      %gather3A_963 = vector.shape_cast %broadcast_in_dim3A_962 : vector<16x1xi32> to vector<16xi32>
      %gather3A_964 = tpu.dynamic_gather %select_n3A_721[%gather3A_963] in [0] : vector<16xf32>, vector<16xi32> -> vector<16xf32>
      %select_n3A_965 = arith.select %eq3A_937, %gather3A_964, %select_n3A_777 : vector<16xi1>, vector<16xf32>
      %xor3A_966 = arith.constant 4 : i32
      %xor3A_967 = vector.broadcast %xor3A_966 : i32 to vector<16xi32>
      %xor3A_968 = arith.xori %iota3A, %xor3A_967 : vector<16xi32>
      %lt3A_969 = arith.constant 0 : i32
      %lt3A_970 = vector.broadcast %lt3A_969 : i32 to vector<16xi32>
      %lt3A_971 = arith.cmpi slt, %xor3A_968, %lt3A_970 : vector<16xi32>
      %add3A_972 = arith.constant 16 : i32
      %add3A_973 = vector.broadcast %add3A_972 : i32 to vector<16xi32>
      %add3A_974 = arith.addi %xor3A_968, %add3A_973 : vector<16xi32>
      %select_n3A_975 = arith.select %lt3A_971, %add3A_974, %xor3A_968 : vector<16xi1>, vector<16xi32>
      %broadcast_in_dim3A_976 = vector.shape_cast %select_n3A_975 : vector<16xi32> to vector<16x1xi32>
      %gather3A_977 = vector.shape_cast %broadcast_in_dim3A_976 : vector<16x1xi32> to vector<16xi32>
      %gather3A_978 = tpu.dynamic_gather %select_n3A_805[%gather3A_977] in [0] : vector<16xf32>, vector<16xi32> -> vector<16xf32>
      %select_n3A_979 = arith.select %eq3A_937, %select_n3A_749, %gather3A_978 : vector<16xi1>, vector<16xf32>
      %xor3A_980 = arith.constant 4 : i32
      %xor3A_981 = vector.broadcast %xor3A_980 : i32 to vector<16xi32>
      %xor3A_982 = arith.xori %iota3A, %xor3A_981 : vector<16xi32>
      %lt3A_983 = arith.constant 0 : i32
      %lt3A_984 = vector.broadcast %lt3A_983 : i32 to vector<16xi32>
      %lt3A_985 = arith.cmpi slt, %xor3A_982, %lt3A_984 : vector<16xi32>
      %add3A_986 = arith.constant 16 : i32
      %add3A_987 = vector.broadcast %add3A_986 : i32 to vector<16xi32>
      %add3A_988 = arith.addi %xor3A_982, %add3A_987 : vector<16xi32>
      %select_n3A_989 = arith.select %lt3A_985, %add3A_988, %xor3A_982 : vector<16xi1>, vector<16xi32>
      %broadcast_in_dim3A_990 = vector.shape_cast %select_n3A_989 : vector<16xi32> to vector<16x1xi32>
      %gather3A_991 = vector.shape_cast %broadcast_in_dim3A_990 : vector<16x1xi32> to vector<16xi32>
      %gather3A_992 = tpu.dynamic_gather %select_n3A_749[%gather3A_991] in [0] : vector<16xf32>, vector<16xi32> -> vector<16xf32>
      %select_n3A_993 = arith.select %eq3A_937, %gather3A_992, %select_n3A_805 : vector<16xi1>, vector<16xf32>
      %xor3A_994 = arith.constant 4 : i32
      %xor3A_995 = vector.broadcast %xor3A_994 : i32 to vector<16xi32>
      %xor3A_996 = arith.xori %iota3A, %xor3A_995 : vector<16xi32>
      %lt3A_997 = arith.constant 0 : i32
      %lt3A_998 = vector.broadcast %lt3A_997 : i32 to vector<16xi32>
      %lt3A_999 = arith.cmpi slt, %xor3A_996, %lt3A_998 : vector<16xi32>
      %add3A_1000 = arith.constant 16 : i32
      %add3A_1001 = vector.broadcast %add3A_1000 : i32 to vector<16xi32>
      %add3A_1002 = arith.addi %xor3A_996, %add3A_1001 : vector<16xi32>
      %select_n3A_1003 = arith.select %lt3A_999, %add3A_1002, %xor3A_996 : vector<16xi1>, vector<16xi32>
      %broadcast_in_dim3A_1004 = vector.shape_cast %select_n3A_1003 : vector<16xi32> to vector<16x1xi32>
      %gather3A_1005 = vector.shape_cast %broadcast_in_dim3A_1004 : vector<16x1xi32> to vector<16xi32>
      %gather3A_1006 = tpu.dynamic_gather %select_n3A_791[%gather3A_1005] in [0] : vector<16xf32>, vector<16xi32> -> vector<16xf32>
      %select_n3A_1007 = arith.select %eq3A_937, %select_n3A_735, %gather3A_1006 : vector<16xi1>, vector<16xf32>
      %xor3A_1008 = arith.constant 4 : i32
      %xor3A_1009 = vector.broadcast %xor3A_1008 : i32 to vector<16xi32>
      %xor3A_1010 = arith.xori %iota3A, %xor3A_1009 : vector<16xi32>
      %lt3A_1011 = arith.constant 0 : i32
      %lt3A_1012 = vector.broadcast %lt3A_1011 : i32 to vector<16xi32>
      %lt3A_1013 = arith.cmpi slt, %xor3A_1010, %lt3A_1012 : vector<16xi32>
      %add3A_1014 = arith.constant 16 : i32
      %add3A_1015 = vector.broadcast %add3A_1014 : i32 to vector<16xi32>
      %add3A_1016 = arith.addi %xor3A_1010, %add3A_1015 : vector<16xi32>
      %select_n3A_1017 = arith.select %lt3A_1013, %add3A_1016, %xor3A_1010 : vector<16xi1>, vector<16xi32>
      %broadcast_in_dim3A_1018 = vector.shape_cast %select_n3A_1017 : vector<16xi32> to vector<16x1xi32>
      %gather3A_1019 = vector.shape_cast %broadcast_in_dim3A_1018 : vector<16x1xi32> to vector<16xi32>
      %gather3A_1020 = tpu.dynamic_gather %select_n3A_735[%gather3A_1019] in [0] : vector<16xf32>, vector<16xi32> -> vector<16xf32>
      %select_n3A_1021 = arith.select %eq3A_937, %gather3A_1020, %select_n3A_791 : vector<16xi1>, vector<16xf32>
      %xor3A_1022 = arith.constant 4 : i32
      %xor3A_1023 = vector.broadcast %xor3A_1022 : i32 to vector<16xi32>
      %xor3A_1024 = arith.xori %iota3A, %xor3A_1023 : vector<16xi32>
      %lt3A_1025 = arith.constant 0 : i32
      %lt3A_1026 = vector.broadcast %lt3A_1025 : i32 to vector<16xi32>
      %lt3A_1027 = arith.cmpi slt, %xor3A_1024, %lt3A_1026 : vector<16xi32>
      %add3A_1028 = arith.constant 16 : i32
      %add3A_1029 = vector.broadcast %add3A_1028 : i32 to vector<16xi32>
      %add3A_1030 = arith.addi %xor3A_1024, %add3A_1029 : vector<16xi32>
      %select_n3A_1031 = arith.select %lt3A_1027, %add3A_1030, %xor3A_1024 : vector<16xi1>, vector<16xi32>
      %broadcast_in_dim3A_1032 = vector.shape_cast %select_n3A_1031 : vector<16xi32> to vector<16x1xi32>
      %gather3A_1033 = vector.shape_cast %broadcast_in_dim3A_1032 : vector<16x1xi32> to vector<16xi32>
      %gather3A_1034 = tpu.dynamic_gather %select_n3A_819[%gather3A_1033] in [0] : vector<16xf32>, vector<16xi32> -> vector<16xf32>
      %select_n3A_1035 = arith.select %eq3A_937, %select_n3A_763, %gather3A_1034 : vector<16xi1>, vector<16xf32>
      %xor3A_1036 = arith.constant 4 : i32
      %xor3A_1037 = vector.broadcast %xor3A_1036 : i32 to vector<16xi32>
      %xor3A_1038 = arith.xori %iota3A, %xor3A_1037 : vector<16xi32>
      %lt3A_1039 = arith.constant 0 : i32
      %lt3A_1040 = vector.broadcast %lt3A_1039 : i32 to vector<16xi32>
      %lt3A_1041 = arith.cmpi slt, %xor3A_1038, %lt3A_1040 : vector<16xi32>
      %add3A_1042 = arith.constant 16 : i32
      %add3A_1043 = vector.broadcast %add3A_1042 : i32 to vector<16xi32>
      %add3A_1044 = arith.addi %xor3A_1038, %add3A_1043 : vector<16xi32>
      %select_n3A_1045 = arith.select %lt3A_1041, %add3A_1044, %xor3A_1038 : vector<16xi1>, vector<16xi32>
      %broadcast_in_dim3A_1046 = vector.shape_cast %select_n3A_1045 : vector<16xi32> to vector<16x1xi32>
      %gather3A_1047 = vector.shape_cast %broadcast_in_dim3A_1046 : vector<16x1xi32> to vector<16xi32>
      %gather3A_1048 = tpu.dynamic_gather %select_n3A_763[%gather3A_1047] in [0] : vector<16xf32>, vector<16xi32> -> vector<16xf32>
      %select_n3A_1049 = arith.select %eq3A_937, %gather3A_1048, %select_n3A_819 : vector<16xi1>, vector<16xf32>
      %xor3A_1050 = arith.constant 4 : i32
      %xor3A_1051 = vector.broadcast %xor3A_1050 : i32 to vector<16xi32>
      %xor3A_1052 = arith.xori %iota3A, %xor3A_1051 : vector<16xi32>
      %lt3A_1053 = arith.constant 0 : i32
      %lt3A_1054 = vector.broadcast %lt3A_1053 : i32 to vector<16xi32>
      %lt3A_1055 = arith.cmpi slt, %xor3A_1052, %lt3A_1054 : vector<16xi32>
      %add3A_1056 = arith.constant 16 : i32
      %add3A_1057 = vector.broadcast %add3A_1056 : i32 to vector<16xi32>
      %add3A_1058 = arith.addi %xor3A_1052, %add3A_1057 : vector<16xi32>
      %select_n3A_1059 = arith.select %lt3A_1055, %add3A_1058, %xor3A_1052 : vector<16xi1>, vector<16xi32>
      %broadcast_in_dim3A_1060 = vector.shape_cast %select_n3A_1059 : vector<16xi32> to vector<16x1xi32>
      %gather3A_1061 = vector.shape_cast %broadcast_in_dim3A_1060 : vector<16x1xi32> to vector<16xi32>
      %gather3A_1062 = tpu.dynamic_gather %select_n3A_889[%gather3A_1061] in [0] : vector<16xf32>, vector<16xi32> -> vector<16xf32>
      %select_n3A_1063 = arith.select %eq3A_937, %select_n3A_833, %gather3A_1062 : vector<16xi1>, vector<16xf32>
      %xor3A_1064 = arith.constant 4 : i32
      %xor3A_1065 = vector.broadcast %xor3A_1064 : i32 to vector<16xi32>
      %xor3A_1066 = arith.xori %iota3A, %xor3A_1065 : vector<16xi32>
      %lt3A_1067 = arith.constant 0 : i32
      %lt3A_1068 = vector.broadcast %lt3A_1067 : i32 to vector<16xi32>
      %lt3A_1069 = arith.cmpi slt, %xor3A_1066, %lt3A_1068 : vector<16xi32>
      %add3A_1070 = arith.constant 16 : i32
      %add3A_1071 = vector.broadcast %add3A_1070 : i32 to vector<16xi32>
      %add3A_1072 = arith.addi %xor3A_1066, %add3A_1071 : vector<16xi32>
      %select_n3A_1073 = arith.select %lt3A_1069, %add3A_1072, %xor3A_1066 : vector<16xi1>, vector<16xi32>
      %broadcast_in_dim3A_1074 = vector.shape_cast %select_n3A_1073 : vector<16xi32> to vector<16x1xi32>
      %gather3A_1075 = vector.shape_cast %broadcast_in_dim3A_1074 : vector<16x1xi32> to vector<16xi32>
      %gather3A_1076 = tpu.dynamic_gather %select_n3A_833[%gather3A_1075] in [0] : vector<16xf32>, vector<16xi32> -> vector<16xf32>
      %select_n3A_1077 = arith.select %eq3A_937, %gather3A_1076, %select_n3A_889 : vector<16xi1>, vector<16xf32>
      %xor3A_1078 = arith.constant 4 : i32
      %xor3A_1079 = vector.broadcast %xor3A_1078 : i32 to vector<16xi32>
      %xor3A_1080 = arith.xori %iota3A, %xor3A_1079 : vector<16xi32>
      %lt3A_1081 = arith.constant 0 : i32
      %lt3A_1082 = vector.broadcast %lt3A_1081 : i32 to vector<16xi32>
      %lt3A_1083 = arith.cmpi slt, %xor3A_1080, %lt3A_1082 : vector<16xi32>
      %add3A_1084 = arith.constant 16 : i32
      %add3A_1085 = vector.broadcast %add3A_1084 : i32 to vector<16xi32>
      %add3A_1086 = arith.addi %xor3A_1080, %add3A_1085 : vector<16xi32>
      %select_n3A_1087 = arith.select %lt3A_1083, %add3A_1086, %xor3A_1080 : vector<16xi1>, vector<16xi32>
      %broadcast_in_dim3A_1088 = vector.shape_cast %select_n3A_1087 : vector<16xi32> to vector<16x1xi32>
      %gather3A_1089 = vector.shape_cast %broadcast_in_dim3A_1088 : vector<16x1xi32> to vector<16xi32>
      %gather3A_1090 = tpu.dynamic_gather %select_n3A_917[%gather3A_1089] in [0] : vector<16xf32>, vector<16xi32> -> vector<16xf32>
      %select_n3A_1091 = arith.select %eq3A_937, %select_n3A_861, %gather3A_1090 : vector<16xi1>, vector<16xf32>
      %xor3A_1092 = arith.constant 4 : i32
      %xor3A_1093 = vector.broadcast %xor3A_1092 : i32 to vector<16xi32>
      %xor3A_1094 = arith.xori %iota3A, %xor3A_1093 : vector<16xi32>
      %lt3A_1095 = arith.constant 0 : i32
      %lt3A_1096 = vector.broadcast %lt3A_1095 : i32 to vector<16xi32>
      %lt3A_1097 = arith.cmpi slt, %xor3A_1094, %lt3A_1096 : vector<16xi32>
      %add3A_1098 = arith.constant 16 : i32
      %add3A_1099 = vector.broadcast %add3A_1098 : i32 to vector<16xi32>
      %add3A_1100 = arith.addi %xor3A_1094, %add3A_1099 : vector<16xi32>
      %select_n3A_1101 = arith.select %lt3A_1097, %add3A_1100, %xor3A_1094 : vector<16xi1>, vector<16xi32>
      %broadcast_in_dim3A_1102 = vector.shape_cast %select_n3A_1101 : vector<16xi32> to vector<16x1xi32>
      %gather3A_1103 = vector.shape_cast %broadcast_in_dim3A_1102 : vector<16x1xi32> to vector<16xi32>
      %gather3A_1104 = tpu.dynamic_gather %select_n3A_861[%gather3A_1103] in [0] : vector<16xf32>, vector<16xi32> -> vector<16xf32>
      %select_n3A_1105 = arith.select %eq3A_937, %gather3A_1104, %select_n3A_917 : vector<16xi1>, vector<16xf32>
      %xor3A_1106 = arith.constant 4 : i32
      %xor3A_1107 = vector.broadcast %xor3A_1106 : i32 to vector<16xi32>
      %xor3A_1108 = arith.xori %iota3A, %xor3A_1107 : vector<16xi32>
      %lt3A_1109 = arith.constant 0 : i32
      %lt3A_1110 = vector.broadcast %lt3A_1109 : i32 to vector<16xi32>
      %lt3A_1111 = arith.cmpi slt, %xor3A_1108, %lt3A_1110 : vector<16xi32>
      %add3A_1112 = arith.constant 16 : i32
      %add3A_1113 = vector.broadcast %add3A_1112 : i32 to vector<16xi32>
      %add3A_1114 = arith.addi %xor3A_1108, %add3A_1113 : vector<16xi32>
      %select_n3A_1115 = arith.select %lt3A_1111, %add3A_1114, %xor3A_1108 : vector<16xi1>, vector<16xi32>
      %broadcast_in_dim3A_1116 = vector.shape_cast %select_n3A_1115 : vector<16xi32> to vector<16x1xi32>
      %gather3A_1117 = vector.shape_cast %broadcast_in_dim3A_1116 : vector<16x1xi32> to vector<16xi32>
      %gather3A_1118 = tpu.dynamic_gather %select_n3A_903[%gather3A_1117] in [0] : vector<16xf32>, vector<16xi32> -> vector<16xf32>
      %select_n3A_1119 = arith.select %eq3A_937, %select_n3A_847, %gather3A_1118 : vector<16xi1>, vector<16xf32>
      %xor3A_1120 = arith.constant 4 : i32
      %xor3A_1121 = vector.broadcast %xor3A_1120 : i32 to vector<16xi32>
      %xor3A_1122 = arith.xori %iota3A, %xor3A_1121 : vector<16xi32>
      %lt3A_1123 = arith.constant 0 : i32
      %lt3A_1124 = vector.broadcast %lt3A_1123 : i32 to vector<16xi32>
      %lt3A_1125 = arith.cmpi slt, %xor3A_1122, %lt3A_1124 : vector<16xi32>
      %add3A_1126 = arith.constant 16 : i32
      %add3A_1127 = vector.broadcast %add3A_1126 : i32 to vector<16xi32>
      %add3A_1128 = arith.addi %xor3A_1122, %add3A_1127 : vector<16xi32>
      %select_n3A_1129 = arith.select %lt3A_1125, %add3A_1128, %xor3A_1122 : vector<16xi1>, vector<16xi32>
      %broadcast_in_dim3A_1130 = vector.shape_cast %select_n3A_1129 : vector<16xi32> to vector<16x1xi32>
      %gather3A_1131 = vector.shape_cast %broadcast_in_dim3A_1130 : vector<16x1xi32> to vector<16xi32>
      %gather3A_1132 = tpu.dynamic_gather %select_n3A_847[%gather3A_1131] in [0] : vector<16xf32>, vector<16xi32> -> vector<16xf32>
      %select_n3A_1133 = arith.select %eq3A_937, %gather3A_1132, %select_n3A_903 : vector<16xi1>, vector<16xf32>
      %xor3A_1134 = arith.constant 4 : i32
      %xor3A_1135 = vector.broadcast %xor3A_1134 : i32 to vector<16xi32>
      %xor3A_1136 = arith.xori %iota3A, %xor3A_1135 : vector<16xi32>
      %lt3A_1137 = arith.constant 0 : i32
      %lt3A_1138 = vector.broadcast %lt3A_1137 : i32 to vector<16xi32>
      %lt3A_1139 = arith.cmpi slt, %xor3A_1136, %lt3A_1138 : vector<16xi32>
      %add3A_1140 = arith.constant 16 : i32
      %add3A_1141 = vector.broadcast %add3A_1140 : i32 to vector<16xi32>
      %add3A_1142 = arith.addi %xor3A_1136, %add3A_1141 : vector<16xi32>
      %select_n3A_1143 = arith.select %lt3A_1139, %add3A_1142, %xor3A_1136 : vector<16xi1>, vector<16xi32>
      %broadcast_in_dim3A_1144 = vector.shape_cast %select_n3A_1143 : vector<16xi32> to vector<16x1xi32>
      %gather3A_1145 = vector.shape_cast %broadcast_in_dim3A_1144 : vector<16x1xi32> to vector<16xi32>
      %gather3A_1146 = tpu.dynamic_gather %select_n3A_931[%gather3A_1145] in [0] : vector<16xf32>, vector<16xi32> -> vector<16xf32>
      %select_n3A_1147 = arith.select %eq3A_937, %select_n3A_875, %gather3A_1146 : vector<16xi1>, vector<16xf32>
      %xor3A_1148 = arith.constant 4 : i32
      %xor3A_1149 = vector.broadcast %xor3A_1148 : i32 to vector<16xi32>
      %xor3A_1150 = arith.xori %iota3A, %xor3A_1149 : vector<16xi32>
      %lt3A_1151 = arith.constant 0 : i32
      %lt3A_1152 = vector.broadcast %lt3A_1151 : i32 to vector<16xi32>
      %lt3A_1153 = arith.cmpi slt, %xor3A_1150, %lt3A_1152 : vector<16xi32>
      %add3A_1154 = arith.constant 16 : i32
      %add3A_1155 = vector.broadcast %add3A_1154 : i32 to vector<16xi32>
      %add3A_1156 = arith.addi %xor3A_1150, %add3A_1155 : vector<16xi32>
      %select_n3A_1157 = arith.select %lt3A_1153, %add3A_1156, %xor3A_1150 : vector<16xi1>, vector<16xi32>
      %broadcast_in_dim3A_1158 = vector.shape_cast %select_n3A_1157 : vector<16xi32> to vector<16x1xi32>
      %gather3A_1159 = vector.shape_cast %broadcast_in_dim3A_1158 : vector<16x1xi32> to vector<16xi32>
      %gather3A_1160 = tpu.dynamic_gather %select_n3A_875[%gather3A_1159] in [0] : vector<16xf32>, vector<16xi32> -> vector<16xf32>
      %select_n3A_1161 = arith.select %eq3A_937, %gather3A_1160, %select_n3A_931 : vector<16xi1>, vector<16xf32>
      %and3A_1162 = arith.constant 8 : i32
      %and3A_1163 = vector.broadcast %and3A_1162 : i32 to vector<16xi32>
      %and3A_1164 = arith.andi %iota3A, %and3A_1163 : vector<16xi32>
      %eq3A_1165 = arith.constant 0 : i32
      %eq3A_1166 = vector.broadcast %eq3A_1165 : i32 to vector<16xi32>
      %eq3A_1167 = arith.cmpi eq, %and3A_1164, %eq3A_1166 : vector<16xi32>
      %xor3A_1168 = arith.constant 8 : i32
      %xor3A_1169 = vector.broadcast %xor3A_1168 : i32 to vector<16xi32>
      %xor3A_1170 = arith.xori %iota3A, %xor3A_1169 : vector<16xi32>
      %lt3A_1171 = arith.constant 0 : i32
      %lt3A_1172 = vector.broadcast %lt3A_1171 : i32 to vector<16xi32>
      %lt3A_1173 = arith.cmpi slt, %xor3A_1170, %lt3A_1172 : vector<16xi32>
      %add3A_1174 = arith.constant 16 : i32
      %add3A_1175 = vector.broadcast %add3A_1174 : i32 to vector<16xi32>
      %add3A_1176 = arith.addi %xor3A_1170, %add3A_1175 : vector<16xi32>
      %select_n3A_1177 = arith.select %lt3A_1173, %add3A_1176, %xor3A_1170 : vector<16xi1>, vector<16xi32>
      %broadcast_in_dim3A_1178 = vector.shape_cast %select_n3A_1177 : vector<16xi32> to vector<16x1xi32>
      %gather3A_1179 = vector.shape_cast %broadcast_in_dim3A_1178 : vector<16x1xi32> to vector<16xi32>
      %gather3A_1180 = tpu.dynamic_gather %select_n3A_1063[%gather3A_1179] in [0] : vector<16xf32>, vector<16xi32> -> vector<16xf32>
      %select_n3A_1181 = arith.select %eq3A_1167, %select_n3A_951, %gather3A_1180 : vector<16xi1>, vector<16xf32>
      %xor3A_1182 = arith.constant 8 : i32
      %xor3A_1183 = vector.broadcast %xor3A_1182 : i32 to vector<16xi32>
      %xor3A_1184 = arith.xori %iota3A, %xor3A_1183 : vector<16xi32>
      %lt3A_1185 = arith.constant 0 : i32
      %lt3A_1186 = vector.broadcast %lt3A_1185 : i32 to vector<16xi32>
      %lt3A_1187 = arith.cmpi slt, %xor3A_1184, %lt3A_1186 : vector<16xi32>
      %add3A_1188 = arith.constant 16 : i32
      %add3A_1189 = vector.broadcast %add3A_1188 : i32 to vector<16xi32>
      %add3A_1190 = arith.addi %xor3A_1184, %add3A_1189 : vector<16xi32>
      %select_n3A_1191 = arith.select %lt3A_1187, %add3A_1190, %xor3A_1184 : vector<16xi1>, vector<16xi32>
      %broadcast_in_dim3A_1192 = vector.shape_cast %select_n3A_1191 : vector<16xi32> to vector<16x1xi32>
      %gather3A_1193 = vector.shape_cast %broadcast_in_dim3A_1192 : vector<16x1xi32> to vector<16xi32>
      %gather3A_1194 = tpu.dynamic_gather %select_n3A_951[%gather3A_1193] in [0] : vector<16xf32>, vector<16xi32> -> vector<16xf32>
      %select_n3A_1195 = arith.select %eq3A_1167, %gather3A_1194, %select_n3A_1063 : vector<16xi1>, vector<16xf32>
      %xor3A_1196 = arith.constant 8 : i32
      %xor3A_1197 = vector.broadcast %xor3A_1196 : i32 to vector<16xi32>
      %xor3A_1198 = arith.xori %iota3A, %xor3A_1197 : vector<16xi32>
      %lt3A_1199 = arith.constant 0 : i32
      %lt3A_1200 = vector.broadcast %lt3A_1199 : i32 to vector<16xi32>
      %lt3A_1201 = arith.cmpi slt, %xor3A_1198, %lt3A_1200 : vector<16xi32>
      %add3A_1202 = arith.constant 16 : i32
      %add3A_1203 = vector.broadcast %add3A_1202 : i32 to vector<16xi32>
      %add3A_1204 = arith.addi %xor3A_1198, %add3A_1203 : vector<16xi32>
      %select_n3A_1205 = arith.select %lt3A_1201, %add3A_1204, %xor3A_1198 : vector<16xi1>, vector<16xi32>
      %broadcast_in_dim3A_1206 = vector.shape_cast %select_n3A_1205 : vector<16xi32> to vector<16x1xi32>
      %gather3A_1207 = vector.shape_cast %broadcast_in_dim3A_1206 : vector<16x1xi32> to vector<16xi32>
      %gather3A_1208 = tpu.dynamic_gather %select_n3A_1091[%gather3A_1207] in [0] : vector<16xf32>, vector<16xi32> -> vector<16xf32>
      %select_n3A_1209 = arith.select %eq3A_1167, %select_n3A_979, %gather3A_1208 : vector<16xi1>, vector<16xf32>
      %xor3A_1210 = arith.constant 8 : i32
      %xor3A_1211 = vector.broadcast %xor3A_1210 : i32 to vector<16xi32>
      %xor3A_1212 = arith.xori %iota3A, %xor3A_1211 : vector<16xi32>
      %lt3A_1213 = arith.constant 0 : i32
      %lt3A_1214 = vector.broadcast %lt3A_1213 : i32 to vector<16xi32>
      %lt3A_1215 = arith.cmpi slt, %xor3A_1212, %lt3A_1214 : vector<16xi32>
      %add3A_1216 = arith.constant 16 : i32
      %add3A_1217 = vector.broadcast %add3A_1216 : i32 to vector<16xi32>
      %add3A_1218 = arith.addi %xor3A_1212, %add3A_1217 : vector<16xi32>
      %select_n3A_1219 = arith.select %lt3A_1215, %add3A_1218, %xor3A_1212 : vector<16xi1>, vector<16xi32>
      %broadcast_in_dim3A_1220 = vector.shape_cast %select_n3A_1219 : vector<16xi32> to vector<16x1xi32>
      %gather3A_1221 = vector.shape_cast %broadcast_in_dim3A_1220 : vector<16x1xi32> to vector<16xi32>
      %gather3A_1222 = tpu.dynamic_gather %select_n3A_979[%gather3A_1221] in [0] : vector<16xf32>, vector<16xi32> -> vector<16xf32>
      %select_n3A_1223 = arith.select %eq3A_1167, %gather3A_1222, %select_n3A_1091 : vector<16xi1>, vector<16xf32>
      %xor3A_1224 = arith.constant 8 : i32
      %xor3A_1225 = vector.broadcast %xor3A_1224 : i32 to vector<16xi32>
      %xor3A_1226 = arith.xori %iota3A, %xor3A_1225 : vector<16xi32>
      %lt3A_1227 = arith.constant 0 : i32
      %lt3A_1228 = vector.broadcast %lt3A_1227 : i32 to vector<16xi32>
      %lt3A_1229 = arith.cmpi slt, %xor3A_1226, %lt3A_1228 : vector<16xi32>
      %add3A_1230 = arith.constant 16 : i32
      %add3A_1231 = vector.broadcast %add3A_1230 : i32 to vector<16xi32>
      %add3A_1232 = arith.addi %xor3A_1226, %add3A_1231 : vector<16xi32>
      %select_n3A_1233 = arith.select %lt3A_1229, %add3A_1232, %xor3A_1226 : vector<16xi1>, vector<16xi32>
      %broadcast_in_dim3A_1234 = vector.shape_cast %select_n3A_1233 : vector<16xi32> to vector<16x1xi32>
      %gather3A_1235 = vector.shape_cast %broadcast_in_dim3A_1234 : vector<16x1xi32> to vector<16xi32>
      %gather3A_1236 = tpu.dynamic_gather %select_n3A_1119[%gather3A_1235] in [0] : vector<16xf32>, vector<16xi32> -> vector<16xf32>
      %select_n3A_1237 = arith.select %eq3A_1167, %select_n3A_1007, %gather3A_1236 : vector<16xi1>, vector<16xf32>
      %xor3A_1238 = arith.constant 8 : i32
      %xor3A_1239 = vector.broadcast %xor3A_1238 : i32 to vector<16xi32>
      %xor3A_1240 = arith.xori %iota3A, %xor3A_1239 : vector<16xi32>
      %lt3A_1241 = arith.constant 0 : i32
      %lt3A_1242 = vector.broadcast %lt3A_1241 : i32 to vector<16xi32>
      %lt3A_1243 = arith.cmpi slt, %xor3A_1240, %lt3A_1242 : vector<16xi32>
      %add3A_1244 = arith.constant 16 : i32
      %add3A_1245 = vector.broadcast %add3A_1244 : i32 to vector<16xi32>
      %add3A_1246 = arith.addi %xor3A_1240, %add3A_1245 : vector<16xi32>
      %select_n3A_1247 = arith.select %lt3A_1243, %add3A_1246, %xor3A_1240 : vector<16xi1>, vector<16xi32>
      %broadcast_in_dim3A_1248 = vector.shape_cast %select_n3A_1247 : vector<16xi32> to vector<16x1xi32>
      %gather3A_1249 = vector.shape_cast %broadcast_in_dim3A_1248 : vector<16x1xi32> to vector<16xi32>
      %gather3A_1250 = tpu.dynamic_gather %select_n3A_1007[%gather3A_1249] in [0] : vector<16xf32>, vector<16xi32> -> vector<16xf32>
      %select_n3A_1251 = arith.select %eq3A_1167, %gather3A_1250, %select_n3A_1119 : vector<16xi1>, vector<16xf32>
      %xor3A_1252 = arith.constant 8 : i32
      %xor3A_1253 = vector.broadcast %xor3A_1252 : i32 to vector<16xi32>
      %xor3A_1254 = arith.xori %iota3A, %xor3A_1253 : vector<16xi32>
      %lt3A_1255 = arith.constant 0 : i32
      %lt3A_1256 = vector.broadcast %lt3A_1255 : i32 to vector<16xi32>
      %lt3A_1257 = arith.cmpi slt, %xor3A_1254, %lt3A_1256 : vector<16xi32>
      %add3A_1258 = arith.constant 16 : i32
      %add3A_1259 = vector.broadcast %add3A_1258 : i32 to vector<16xi32>
      %add3A_1260 = arith.addi %xor3A_1254, %add3A_1259 : vector<16xi32>
      %select_n3A_1261 = arith.select %lt3A_1257, %add3A_1260, %xor3A_1254 : vector<16xi1>, vector<16xi32>
      %broadcast_in_dim3A_1262 = vector.shape_cast %select_n3A_1261 : vector<16xi32> to vector<16x1xi32>
      %gather3A_1263 = vector.shape_cast %broadcast_in_dim3A_1262 : vector<16x1xi32> to vector<16xi32>
      %gather3A_1264 = tpu.dynamic_gather %select_n3A_1147[%gather3A_1263] in [0] : vector<16xf32>, vector<16xi32> -> vector<16xf32>
      %select_n3A_1265 = arith.select %eq3A_1167, %select_n3A_1035, %gather3A_1264 : vector<16xi1>, vector<16xf32>
      %xor3A_1266 = arith.constant 8 : i32
      %xor3A_1267 = vector.broadcast %xor3A_1266 : i32 to vector<16xi32>
      %xor3A_1268 = arith.xori %iota3A, %xor3A_1267 : vector<16xi32>
      %lt3A_1269 = arith.constant 0 : i32
      %lt3A_1270 = vector.broadcast %lt3A_1269 : i32 to vector<16xi32>
      %lt3A_1271 = arith.cmpi slt, %xor3A_1268, %lt3A_1270 : vector<16xi32>
      %add3A_1272 = arith.constant 16 : i32
      %add3A_1273 = vector.broadcast %add3A_1272 : i32 to vector<16xi32>
      %add3A_1274 = arith.addi %xor3A_1268, %add3A_1273 : vector<16xi32>
      %select_n3A_1275 = arith.select %lt3A_1271, %add3A_1274, %xor3A_1268 : vector<16xi1>, vector<16xi32>
      %broadcast_in_dim3A_1276 = vector.shape_cast %select_n3A_1275 : vector<16xi32> to vector<16x1xi32>
      %gather3A_1277 = vector.shape_cast %broadcast_in_dim3A_1276 : vector<16x1xi32> to vector<16xi32>
      %gather3A_1278 = tpu.dynamic_gather %select_n3A_1035[%gather3A_1277] in [0] : vector<16xf32>, vector<16xi32> -> vector<16xf32>
      %select_n3A_1279 = arith.select %eq3A_1167, %gather3A_1278, %select_n3A_1147 : vector<16xi1>, vector<16xf32>
      %xor3A_1280 = arith.constant 8 : i32
      %xor3A_1281 = vector.broadcast %xor3A_1280 : i32 to vector<16xi32>
      %xor3A_1282 = arith.xori %iota3A, %xor3A_1281 : vector<16xi32>
      %lt3A_1283 = arith.constant 0 : i32
      %lt3A_1284 = vector.broadcast %lt3A_1283 : i32 to vector<16xi32>
      %lt3A_1285 = arith.cmpi slt, %xor3A_1282, %lt3A_1284 : vector<16xi32>
      %add3A_1286 = arith.constant 16 : i32
      %add3A_1287 = vector.broadcast %add3A_1286 : i32 to vector<16xi32>
      %add3A_1288 = arith.addi %xor3A_1282, %add3A_1287 : vector<16xi32>
      %select_n3A_1289 = arith.select %lt3A_1285, %add3A_1288, %xor3A_1282 : vector<16xi1>, vector<16xi32>
      %broadcast_in_dim3A_1290 = vector.shape_cast %select_n3A_1289 : vector<16xi32> to vector<16x1xi32>
      %gather3A_1291 = vector.shape_cast %broadcast_in_dim3A_1290 : vector<16x1xi32> to vector<16xi32>
      %gather3A_1292 = tpu.dynamic_gather %select_n3A_1077[%gather3A_1291] in [0] : vector<16xf32>, vector<16xi32> -> vector<16xf32>
      %select_n3A_1293 = arith.select %eq3A_1167, %select_n3A_965, %gather3A_1292 : vector<16xi1>, vector<16xf32>
      %xor3A_1294 = arith.constant 8 : i32
      %xor3A_1295 = vector.broadcast %xor3A_1294 : i32 to vector<16xi32>
      %xor3A_1296 = arith.xori %iota3A, %xor3A_1295 : vector<16xi32>
      %lt3A_1297 = arith.constant 0 : i32
      %lt3A_1298 = vector.broadcast %lt3A_1297 : i32 to vector<16xi32>
      %lt3A_1299 = arith.cmpi slt, %xor3A_1296, %lt3A_1298 : vector<16xi32>
      %add3A_1300 = arith.constant 16 : i32
      %add3A_1301 = vector.broadcast %add3A_1300 : i32 to vector<16xi32>
      %add3A_1302 = arith.addi %xor3A_1296, %add3A_1301 : vector<16xi32>
      %select_n3A_1303 = arith.select %lt3A_1299, %add3A_1302, %xor3A_1296 : vector<16xi1>, vector<16xi32>
      %broadcast_in_dim3A_1304 = vector.shape_cast %select_n3A_1303 : vector<16xi32> to vector<16x1xi32>
      %gather3A_1305 = vector.shape_cast %broadcast_in_dim3A_1304 : vector<16x1xi32> to vector<16xi32>
      %gather3A_1306 = tpu.dynamic_gather %select_n3A_965[%gather3A_1305] in [0] : vector<16xf32>, vector<16xi32> -> vector<16xf32>
      %select_n3A_1307 = arith.select %eq3A_1167, %gather3A_1306, %select_n3A_1077 : vector<16xi1>, vector<16xf32>
      %xor3A_1308 = arith.constant 8 : i32
      %xor3A_1309 = vector.broadcast %xor3A_1308 : i32 to vector<16xi32>
      %xor3A_1310 = arith.xori %iota3A, %xor3A_1309 : vector<16xi32>
      %lt3A_1311 = arith.constant 0 : i32
      %lt3A_1312 = vector.broadcast %lt3A_1311 : i32 to vector<16xi32>
      %lt3A_1313 = arith.cmpi slt, %xor3A_1310, %lt3A_1312 : vector<16xi32>
      %add3A_1314 = arith.constant 16 : i32
      %add3A_1315 = vector.broadcast %add3A_1314 : i32 to vector<16xi32>
      %add3A_1316 = arith.addi %xor3A_1310, %add3A_1315 : vector<16xi32>
      %select_n3A_1317 = arith.select %lt3A_1313, %add3A_1316, %xor3A_1310 : vector<16xi1>, vector<16xi32>
      %broadcast_in_dim3A_1318 = vector.shape_cast %select_n3A_1317 : vector<16xi32> to vector<16x1xi32>
      %gather3A_1319 = vector.shape_cast %broadcast_in_dim3A_1318 : vector<16x1xi32> to vector<16xi32>
      %gather3A_1320 = tpu.dynamic_gather %select_n3A_1105[%gather3A_1319] in [0] : vector<16xf32>, vector<16xi32> -> vector<16xf32>
      %select_n3A_1321 = arith.select %eq3A_1167, %select_n3A_993, %gather3A_1320 : vector<16xi1>, vector<16xf32>
      %xor3A_1322 = arith.constant 8 : i32
      %xor3A_1323 = vector.broadcast %xor3A_1322 : i32 to vector<16xi32>
      %xor3A_1324 = arith.xori %iota3A, %xor3A_1323 : vector<16xi32>
      %lt3A_1325 = arith.constant 0 : i32
      %lt3A_1326 = vector.broadcast %lt3A_1325 : i32 to vector<16xi32>
      %lt3A_1327 = arith.cmpi slt, %xor3A_1324, %lt3A_1326 : vector<16xi32>
      %add3A_1328 = arith.constant 16 : i32
      %add3A_1329 = vector.broadcast %add3A_1328 : i32 to vector<16xi32>
      %add3A_1330 = arith.addi %xor3A_1324, %add3A_1329 : vector<16xi32>
      %select_n3A_1331 = arith.select %lt3A_1327, %add3A_1330, %xor3A_1324 : vector<16xi1>, vector<16xi32>
      %broadcast_in_dim3A_1332 = vector.shape_cast %select_n3A_1331 : vector<16xi32> to vector<16x1xi32>
      %gather3A_1333 = vector.shape_cast %broadcast_in_dim3A_1332 : vector<16x1xi32> to vector<16xi32>
      %gather3A_1334 = tpu.dynamic_gather %select_n3A_993[%gather3A_1333] in [0] : vector<16xf32>, vector<16xi32> -> vector<16xf32>
      %select_n3A_1335 = arith.select %eq3A_1167, %gather3A_1334, %select_n3A_1105 : vector<16xi1>, vector<16xf32>
      %xor3A_1336 = arith.constant 8 : i32
      %xor3A_1337 = vector.broadcast %xor3A_1336 : i32 to vector<16xi32>
      %xor3A_1338 = arith.xori %iota3A, %xor3A_1337 : vector<16xi32>
      %lt3A_1339 = arith.constant 0 : i32
      %lt3A_1340 = vector.broadcast %lt3A_1339 : i32 to vector<16xi32>
      %lt3A_1341 = arith.cmpi slt, %xor3A_1338, %lt3A_1340 : vector<16xi32>
      %add3A_1342 = arith.constant 16 : i32
      %add3A_1343 = vector.broadcast %add3A_1342 : i32 to vector<16xi32>
      %add3A_1344 = arith.addi %xor3A_1338, %add3A_1343 : vector<16xi32>
      %select_n3A_1345 = arith.select %lt3A_1341, %add3A_1344, %xor3A_1338 : vector<16xi1>, vector<16xi32>
      %broadcast_in_dim3A_1346 = vector.shape_cast %select_n3A_1345 : vector<16xi32> to vector<16x1xi32>
      %gather3A_1347 = vector.shape_cast %broadcast_in_dim3A_1346 : vector<16x1xi32> to vector<16xi32>
      %gather3A_1348 = tpu.dynamic_gather %select_n3A_1133[%gather3A_1347] in [0] : vector<16xf32>, vector<16xi32> -> vector<16xf32>
      %select_n3A_1349 = arith.select %eq3A_1167, %select_n3A_1021, %gather3A_1348 : vector<16xi1>, vector<16xf32>
      %xor3A_1350 = arith.constant 8 : i32
      %xor3A_1351 = vector.broadcast %xor3A_1350 : i32 to vector<16xi32>
      %xor3A_1352 = arith.xori %iota3A, %xor3A_1351 : vector<16xi32>
      %lt3A_1353 = arith.constant 0 : i32
      %lt3A_1354 = vector.broadcast %lt3A_1353 : i32 to vector<16xi32>
      %lt3A_1355 = arith.cmpi slt, %xor3A_1352, %lt3A_1354 : vector<16xi32>
      %add3A_1356 = arith.constant 16 : i32
      %add3A_1357 = vector.broadcast %add3A_1356 : i32 to vector<16xi32>
      %add3A_1358 = arith.addi %xor3A_1352, %add3A_1357 : vector<16xi32>
      %select_n3A_1359 = arith.select %lt3A_1355, %add3A_1358, %xor3A_1352 : vector<16xi1>, vector<16xi32>
      %broadcast_in_dim3A_1360 = vector.shape_cast %select_n3A_1359 : vector<16xi32> to vector<16x1xi32>
      %gather3A_1361 = vector.shape_cast %broadcast_in_dim3A_1360 : vector<16x1xi32> to vector<16xi32>
      %gather3A_1362 = tpu.dynamic_gather %select_n3A_1021[%gather3A_1361] in [0] : vector<16xf32>, vector<16xi32> -> vector<16xf32>
      %select_n3A_1363 = arith.select %eq3A_1167, %gather3A_1362, %select_n3A_1133 : vector<16xi1>, vector<16xf32>
      %xor3A_1364 = arith.constant 8 : i32
      %xor3A_1365 = vector.broadcast %xor3A_1364 : i32 to vector<16xi32>
      %xor3A_1366 = arith.xori %iota3A, %xor3A_1365 : vector<16xi32>
      %lt3A_1367 = arith.constant 0 : i32
      %lt3A_1368 = vector.broadcast %lt3A_1367 : i32 to vector<16xi32>
      %lt3A_1369 = arith.cmpi slt, %xor3A_1366, %lt3A_1368 : vector<16xi32>
      %add3A_1370 = arith.constant 16 : i32
      %add3A_1371 = vector.broadcast %add3A_1370 : i32 to vector<16xi32>
      %add3A_1372 = arith.addi %xor3A_1366, %add3A_1371 : vector<16xi32>
      %select_n3A_1373 = arith.select %lt3A_1369, %add3A_1372, %xor3A_1366 : vector<16xi1>, vector<16xi32>
      %broadcast_in_dim3A_1374 = vector.shape_cast %select_n3A_1373 : vector<16xi32> to vector<16x1xi32>
      %gather3A_1375 = vector.shape_cast %broadcast_in_dim3A_1374 : vector<16x1xi32> to vector<16xi32>
      %gather3A_1376 = tpu.dynamic_gather %select_n3A_1161[%gather3A_1375] in [0] : vector<16xf32>, vector<16xi32> -> vector<16xf32>
      %select_n3A_1377 = arith.select %eq3A_1167, %select_n3A_1049, %gather3A_1376 : vector<16xi1>, vector<16xf32>
      %xor3A_1378 = arith.constant 8 : i32
      %xor3A_1379 = vector.broadcast %xor3A_1378 : i32 to vector<16xi32>
      %xor3A_1380 = arith.xori %iota3A, %xor3A_1379 : vector<16xi32>
      %lt3A_1381 = arith.constant 0 : i32
      %lt3A_1382 = vector.broadcast %lt3A_1381 : i32 to vector<16xi32>
      %lt3A_1383 = arith.cmpi slt, %xor3A_1380, %lt3A_1382 : vector<16xi32>
      %add3A_1384 = arith.constant 16 : i32
      %add3A_1385 = vector.broadcast %add3A_1384 : i32 to vector<16xi32>
      %add3A_1386 = arith.addi %xor3A_1380, %add3A_1385 : vector<16xi32>
      %select_n3A_1387 = arith.select %lt3A_1383, %add3A_1386, %xor3A_1380 : vector<16xi1>, vector<16xi32>
      %broadcast_in_dim3A_1388 = vector.shape_cast %select_n3A_1387 : vector<16xi32> to vector<16x1xi32>
      %gather3A_1389 = vector.shape_cast %broadcast_in_dim3A_1388 : vector<16x1xi32> to vector<16xi32>
      %gather3A_1390 = tpu.dynamic_gather %select_n3A_1049[%gather3A_1389] in [0] : vector<16xf32>, vector<16xi32> -> vector<16xf32>
      %select_n3A_1391 = arith.select %eq3A_1167, %gather3A_1390, %select_n3A_1161 : vector<16xi1>, vector<16xf32>
      %mul3A_1392 = arith.constant 16 : i32
      %mul3A_1393 = arith.muli %scan3A_17, %mul3A_1392 : i32
      %add3A_1394 = arith.constant 0 : i32
      %add3A_1395 = arith.addi %mul3A_1393, %add3A_1394 : i32
      %mul3A_1396 = arith.constant 16 : i32
      %mul3A_1397 = arith.muli %add3A_1395, %mul3A_1396 : i32
      %swap3A = arith.index_cast %mul3A_1397 : i32 to index
      %swap3A_1398 = tpu.vector_load %arg6[%swap3A] {strides = array<i32>} : memref<4096xf32, #tpu.memory_space<vmem>>, vector<16xf32>,
      %swap3A_1399 = vector.shape_cast %swap3A_1398 : vector<16xf32> to vector<16xf32>
      %swap3A_1400 = vector.shape_cast %select_n3A_1181 : vector<16xf32> to vector<16xf32>
      tpu.vector_store %arg6[%swap3A], %swap3A_1400 {strides = array<i32>} : memref<4096xf32, #tpu.memory_space<vmem>>, vector<16xf32>,
      %mul3A_1401 = arith.constant 16 : i32
      %mul3A_1402 = arith.muli %scan3A_17, %mul3A_1401 : i32
      %add3A_1403 = arith.constant 1 : i32
      %add3A_1404 = arith.addi %mul3A_1402, %add3A_1403 : i32
      %mul3A_1405 = arith.constant 16 : i32
      %mul3A_1406 = arith.muli %add3A_1404, %mul3A_1405 : i32
      %swap3A_1407 = arith.index_cast %mul3A_1406 : i32 to index
      %swap3A_1408 = tpu.vector_load %arg6[%swap3A_1407] {strides = array<i32>} : memref<4096xf32, #tpu.memory_space<vmem>>, vector<16xf32>,
      %swap3A_1409 = vector.shape_cast %swap3A_1408 : vector<16xf32> to vector<16xf32>
      %swap3A_1410 = vector.shape_cast %select_n3A_1209 : vector<16xf32> to vector<16xf32>
      tpu.vector_store %arg6[%swap3A_1407], %swap3A_1410 {strides = array<i32>} : memref<4096xf32, #tpu.memory_space<vmem>>, vector<16xf32>,
      %mul3A_1411 = arith.constant 16 : i32
      %mul3A_1412 = arith.muli %scan3A_17, %mul3A_1411 : i32
      %add3A_1413 = arith.constant 2 : i32
      %add3A_1414 = arith.addi %mul3A_1412, %add3A_1413 : i32
      %mul3A_1415 = arith.constant 16 : i32
      %mul3A_1416 = arith.muli %add3A_1414, %mul3A_1415 : i32
      %swap3A_1417 = arith.index_cast %mul3A_1416 : i32 to index
      %swap3A_1418 = tpu.vector_load %arg6[%swap3A_1417] {strides = array<i32>} : memref<4096xf32, #tpu.memory_space<vmem>>, vector<16xf32>,
      %swap3A_1419 = vector.shape_cast %swap3A_1418 : vector<16xf32> to vector<16xf32>
      %swap3A_1420 = vector.shape_cast %select_n3A_1237 : vector<16xf32> to vector<16xf32>
      tpu.vector_store %arg6[%swap3A_1417], %swap3A_1420 {strides = array<i32>} : memref<4096xf32, #tpu.memory_space<vmem>>, vector<16xf32>,
      %mul3A_1421 = arith.constant 16 : i32
      %mul3A_1422 = arith.muli %scan3A_17, %mul3A_1421 : i32
      %add3A_1423 = arith.constant 3 : i32
      %add3A_1424 = arith.addi %mul3A_1422, %add3A_1423 : i32
      %mul3A_1425 = arith.constant 16 : i32
      %mul3A_1426 = arith.muli %add3A_1424, %mul3A_1425 : i32
      %swap3A_1427 = arith.index_cast %mul3A_1426 : i32 to index
      %swap3A_1428 = tpu.vector_load %arg6[%swap3A_1427] {strides = array<i32>} : memref<4096xf32, #tpu.memory_space<vmem>>, vector<16xf32>,
      %swap3A_1429 = vector.shape_cast %swap3A_1428 : vector<16xf32> to vector<16xf32>
      %swap3A_1430 = vector.shape_cast %select_n3A_1265 : vector<16xf32> to vector<16xf32>
      tpu.vector_store %arg6[%swap3A_1427], %swap3A_1430 {strides = array<i32>} : memref<4096xf32, #tpu.memory_space<vmem>>, vector<16xf32>,
      %mul3A_1431 = arith.constant 16 : i32
      %mul3A_1432 = arith.muli %scan3A_17, %mul3A_1431 : i32
      %add3A_1433 = arith.constant 4 : i32
      %add3A_1434 = arith.addi %mul3A_1432, %add3A_1433 : i32
      %mul3A_1435 = arith.constant 16 : i32
      %mul3A_1436 = arith.muli %add3A_1434, %mul3A_1435 : i32
      %swap3A_1437 = arith.index_cast %mul3A_1436 : i32 to index
      %swap3A_1438 = tpu.vector_load %arg6[%swap3A_1437] {strides = array<i32>} : memref<4096xf32, #tpu.memory_space<vmem>>, vector<16xf32>,
      %swap3A_1439 = vector.shape_cast %swap3A_1438 : vector<16xf32> to vector<16xf32>
      %swap3A_1440 = vector.shape_cast %select_n3A_1293 : vector<16xf32> to vector<16xf32>
      tpu.vector_store %arg6[%swap3A_1437], %swap3A_1440 {strides = array<i32>} : memref<4096xf32, #tpu.memory_space<vmem>>, vector<16xf32>,
      %mul3A_1441 = arith.constant 16 : i32
      %mul3A_1442 = arith.muli %scan3A_17, %mul3A_1441 : i32
      %add3A_1443 = arith.constant 5 : i32
      %add3A_1444 = arith.addi %mul3A_1442, %add3A_1443 : i32
      %mul3A_1445 = arith.constant 16 : i32
      %mul3A_1446 = arith.muli %add3A_1444, %mul3A_1445 : i32
      %swap3A_1447 = arith.index_cast %mul3A_1446 : i32 to index
      %swap3A_1448 = tpu.vector_load %arg6[%swap3A_1447] {strides = array<i32>} : memref<4096xf32, #tpu.memory_space<vmem>>, vector<16xf32>,
      %swap3A_1449 = vector.shape_cast %swap3A_1448 : vector<16xf32> to vector<16xf32>
      %swap3A_1450 = vector.shape_cast %select_n3A_1321 : vector<16xf32> to vector<16xf32>
      tpu.vector_store %arg6[%swap3A_1447], %swap3A_1450 {strides = array<i32>} : memref<4096xf32, #tpu.memory_space<vmem>>, vector<16xf32>,
      %mul3A_1451 = arith.constant 16 : i32
      %mul3A_1452 = arith.muli %scan3A_17, %mul3A_1451 : i32
      %add3A_1453 = arith.constant 6 : i32
      %add3A_1454 = arith.addi %mul3A_1452, %add3A_1453 : i32
      %mul3A_1455 = arith.constant 16 : i32
      %mul3A_1456 = arith.muli %add3A_1454, %mul3A_1455 : i32
      %swap3A_1457 = arith.index_cast %mul3A_1456 : i32 to index
      %swap3A_1458 = tpu.vector_load %arg6[%swap3A_1457] {strides = array<i32>} : memref<4096xf32, #tpu.memory_space<vmem>>, vector<16xf32>,
      %swap3A_1459 = vector.shape_cast %swap3A_1458 : vector<16xf32> to vector<16xf32>
      %swap3A_1460 = vector.shape_cast %select_n3A_1349 : vector<16xf32> to vector<16xf32>
      tpu.vector_store %arg6[%swap3A_1457], %swap3A_1460 {strides = array<i32>} : memref<4096xf32, #tpu.memory_space<vmem>>, vector<16xf32>,
      %mul3A_1461 = arith.constant 16 : i32
      %mul3A_1462 = arith.muli %scan3A_17, %mul3A_1461 : i32
      %add3A_1463 = arith.constant 7 : i32
      %add3A_1464 = arith.addi %mul3A_1462, %add3A_1463 : i32
      %mul3A_1465 = arith.constant 16 : i32
      %mul3A_1466 = arith.muli %add3A_1464, %mul3A_1465 : i32
      %swap3A_1467 = arith.index_cast %mul3A_1466 : i32 to index
      %swap3A_1468 = tpu.vector_load %arg6[%swap3A_1467] {strides = array<i32>} : memref<4096xf32, #tpu.memory_space<vmem>>, vector<16xf32>,
      %swap3A_1469 = vector.shape_cast %swap3A_1468 : vector<16xf32> to vector<16xf32>
      %swap3A_1470 = vector.shape_cast %select_n3A_1377 : vector<16xf32> to vector<16xf32>
      tpu.vector_store %arg6[%swap3A_1467], %swap3A_1470 {strides = array<i32>} : memref<4096xf32, #tpu.memory_space<vmem>>, vector<16xf32>,
      %mul3A_1471 = arith.constant 16 : i32
      %mul3A_1472 = arith.muli %scan3A_17, %mul3A_1471 : i32
      %add3A_1473 = arith.constant 8 : i32
      %add3A_1474 = arith.addi %mul3A_1472, %add3A_1473 : i32
      %mul3A_1475 = arith.constant 16 : i32
      %mul3A_1476 = arith.muli %add3A_1474, %mul3A_1475 : i32
      %swap3A_1477 = arith.index_cast %mul3A_1476 : i32 to index
      %swap3A_1478 = tpu.vector_load %arg6[%swap3A_1477] {strides = array<i32>} : memref<4096xf32, #tpu.memory_space<vmem>>, vector<16xf32>,
      %swap3A_1479 = vector.shape_cast %swap3A_1478 : vector<16xf32> to vector<16xf32>
      %swap3A_1480 = vector.shape_cast %select_n3A_1195 : vector<16xf32> to vector<16xf32>
      tpu.vector_store %arg6[%swap3A_1477], %swap3A_1480 {strides = array<i32>} : memref<4096xf32, #tpu.memory_space<vmem>>, vector<16xf32>,
      %mul3A_1481 = arith.constant 16 : i32
      %mul3A_1482 = arith.muli %scan3A_17, %mul3A_1481 : i32
      %add3A_1483 = arith.constant 9 : i32
      %add3A_1484 = arith.addi %mul3A_1482, %add3A_1483 : i32
      %mul3A_1485 = arith.constant 16 : i32
      %mul3A_1486 = arith.muli %add3A_1484, %mul3A_1485 : i32
      %swap3A_1487 = arith.index_cast %mul3A_1486 : i32 to index
      %swap3A_1488 = tpu.vector_load %arg6[%swap3A_1487] {strides = array<i32>} : memref<4096xf32, #tpu.memory_space<vmem>>, vector<16xf32>,
      %swap3A_1489 = vector.shape_cast %swap3A_1488 : vector<16xf32> to vector<16xf32>
      %swap3A_1490 = vector.shape_cast %select_n3A_1223 : vector<16xf32> to vector<16xf32>
      tpu.vector_store %arg6[%swap3A_1487], %swap3A_1490 {strides = array<i32>} : memref<4096xf32, #tpu.memory_space<vmem>>, vector<16xf32>,
      %mul3A_1491 = arith.constant 16 : i32
      %mul3A_1492 = arith.muli %scan3A_17, %mul3A_1491 : i32
      %add3A_1493 = arith.constant 10 : i32
      %add3A_1494 = arith.addi %mul3A_1492, %add3A_1493 : i32
      %mul3A_1495 = arith.constant 16 : i32
      %mul3A_1496 = arith.muli %add3A_1494, %mul3A_1495 : i32
      %swap3A_1497 = arith.index_cast %mul3A_1496 : i32 to index
      %swap3A_1498 = tpu.vector_load %arg6[%swap3A_1497] {strides = array<i32>} : memref<4096xf32, #tpu.memory_space<vmem>>, vector<16xf32>,
      %swap3A_1499 = vector.shape_cast %swap3A_1498 : vector<16xf32> to vector<16xf32>
      %swap3A_1500 = vector.shape_cast %select_n3A_1251 : vector<16xf32> to vector<16xf32>
      tpu.vector_store %arg6[%swap3A_1497], %swap3A_1500 {strides = array<i32>} : memref<4096xf32, #tpu.memory_space<vmem>>, vector<16xf32>,
      %mul3A_1501 = arith.constant 16 : i32
      %mul3A_1502 = arith.muli %scan3A_17, %mul3A_1501 : i32
      %add3A_1503 = arith.constant 11 : i32
      %add3A_1504 = arith.addi %mul3A_1502, %add3A_1503 : i32
      %mul3A_1505 = arith.constant 16 : i32
      %mul3A_1506 = arith.muli %add3A_1504, %mul3A_1505 : i32
      %swap3A_1507 = arith.index_cast %mul3A_1506 : i32 to index
      %swap3A_1508 = tpu.vector_load %arg6[%swap3A_1507] {strides = array<i32>} : memref<4096xf32, #tpu.memory_space<vmem>>, vector<16xf32>,
      %swap3A_1509 = vector.shape_cast %swap3A_1508 : vector<16xf32> to vector<16xf32>
      %swap3A_1510 = vector.shape_cast %select_n3A_1279 : vector<16xf32> to vector<16xf32>
      tpu.vector_store %arg6[%swap3A_1507], %swap3A_1510 {strides = array<i32>} : memref<4096xf32, #tpu.memory_space<vmem>>, vector<16xf32>,
      %mul3A_1511 = arith.constant 16 : i32
      %mul3A_1512 = arith.muli %scan3A_17, %mul3A_1511 : i32
      %add3A_1513 = arith.constant 12 : i32
      %add3A_1514 = arith.addi %mul3A_1512, %add3A_1513 : i32
      %mul3A_1515 = arith.constant 16 : i32
      %mul3A_1516 = arith.muli %add3A_1514, %mul3A_1515 : i32
      %swap3A_1517 = arith.index_cast %mul3A_1516 : i32 to index
      %swap3A_1518 = tpu.vector_load %arg6[%swap3A_1517] {strides = array<i32>} : memref<4096xf32, #tpu.memory_space<vmem>>, vector<16xf32>,
      %swap3A_1519 = vector.shape_cast %swap3A_1518 : vector<16xf32> to vector<16xf32>
      %swap3A_1520 = vector.shape_cast %select_n3A_1307 : vector<16xf32> to vector<16xf32>
      tpu.vector_store %arg6[%swap3A_1517], %swap3A_1520 {strides = array<i32>} : memref<4096xf32, #tpu.memory_space<vmem>>, vector<16xf32>,
      %mul3A_1521 = arith.constant 16 : i32
      %mul3A_1522 = arith.muli %scan3A_17, %mul3A_1521 : i32
      %add3A_1523 = arith.constant 13 : i32
      %add3A_1524 = arith.addi %mul3A_1522, %add3A_1523 : i32
      %mul3A_1525 = arith.constant 16 : i32
      %mul3A_1526 = arith.muli %add3A_1524, %mul3A_1525 : i32
      %swap3A_1527 = arith.index_cast %mul3A_1526 : i32 to index
      %swap3A_1528 = tpu.vector_load %arg6[%swap3A_1527] {strides = array<i32>} : memref<4096xf32, #tpu.memory_space<vmem>>, vector<16xf32>,
      %swap3A_1529 = vector.shape_cast %swap3A_1528 : vector<16xf32> to vector<16xf32>
      %swap3A_1530 = vector.shape_cast %select_n3A_1335 : vector<16xf32> to vector<16xf32>
      tpu.vector_store %arg6[%swap3A_1527], %swap3A_1530 {strides = array<i32>} : memref<4096xf32, #tpu.memory_space<vmem>>, vector<16xf32>,
      %mul3A_1531 = arith.constant 16 : i32
      %mul3A_1532 = arith.muli %scan3A_17, %mul3A_1531 : i32
      %add3A_1533 = arith.constant 14 : i32
      %add3A_1534 = arith.addi %mul3A_1532, %add3A_1533 : i32
      %mul3A_1535 = arith.constant 16 : i32
      %mul3A_1536 = arith.muli %add3A_1534, %mul3A_1535 : i32
      %swap3A_1537 = arith.index_cast %mul3A_1536 : i32 to index
      %swap3A_1538 = tpu.vector_load %arg6[%swap3A_1537] {strides = array<i32>} : memref<4096xf32, #tpu.memory_space<vmem>>, vector<16xf32>,
      %swap3A_1539 = vector.shape_cast %swap3A_1538 : vector<16xf32> to vector<16xf32>
      %swap3A_1540 = vector.shape_cast %select_n3A_1363 : vector<16xf32> to vector<16xf32>
      tpu.vector_store %arg6[%swap3A_1537], %swap3A_1540 {strides = array<i32>} : memref<4096xf32, #tpu.memory_space<vmem>>, vector<16xf32>,
      %mul3A_1541 = arith.constant 16 : i32
      %mul3A_1542 = arith.muli %scan3A_17, %mul3A_1541 : i32
      %add3A_1543 = arith.constant 15 : i32
      %add3A_1544 = arith.addi %mul3A_1542, %add3A_1543 : i32
      %mul3A_1545 = arith.constant 16 : i32
      %mul3A_1546 = arith.muli %add3A_1544, %mul3A_1545 : i32
      %swap3A_1547 = arith.index_cast %mul3A_1546 : i32 to index
      %swap3A_1548 = tpu.vector_load %arg6[%swap3A_1547] {strides = array<i32>} : memref<4096xf32, #tpu.memory_space<vmem>>, vector<16xf32>,
      %swap3A_1549 = vector.shape_cast %swap3A_1548 : vector<16xf32> to vector<16xf32>
      %swap3A_1550 = vector.shape_cast %select_n3A_1391 : vector<16xf32> to vector<16xf32>
      tpu.vector_store %arg6[%swap3A_1547], %swap3A_1550 {strides = array<i32>} : memref<4096xf32, #tpu.memory_space<vmem>>, vector<16xf32>,
      %shift_right_arithmetic3A = arith.constant 1 : i32
      %shift_right_arithmetic3A_1551 = vector.broadcast %shift_right_arithmetic3A : i32 to vector<16xi32>
      %shift_right_arithmetic3A_1552 = arith.shrsi %iota3A, %shift_right_arithmetic3A_1551 : vector<16xi32>
      %and3A_1553 = arith.constant 1 : i32
      %and3A_1554 = vector.broadcast %and3A_1553 : i32 to vector<16xi32>
      %and3A_1555 = arith.andi %iota3A, %and3A_1554 : vector<16xi32>
      %eq3A_1556 = arith.constant 0 : i32
      %eq3A_1557 = vector.broadcast %eq3A_1556 : i32 to vector<16xi32>
      %eq3A_1558 = arith.cmpi eq, %and3A_1555, %eq3A_1557 : vector<16xi32>
      %lt3A_1559 = arith.constant 0 : i32
      %lt3A_1560 = vector.broadcast %lt3A_1559 : i32 to vector<16xi32>
      %lt3A_1561 = arith.cmpi slt, %shift_right_arithmetic3A_1552, %lt3A_1560 : vector<16xi32>
      %add3A_1562 = arith.constant 16 : i32
      %add3A_1563 = vector.broadcast %add3A_1562 : i32 to vector<16xi32>
      %add3A_1564 = arith.addi %shift_right_arithmetic3A_1552, %add3A_1563 : vector<16xi32>
      %select_n3A_1565 = arith.select %lt3A_1561, %add3A_1564, %shift_right_arithmetic3A_1552 : vector<16xi1>, vector<16xi32>
      %broadcast_in_dim3A_1566 = vector.shape_cast %select_n3A_1565 : vector<16xi32> to vector<16x1xi32>
      %gather3A_1567 = vector.shape_cast %broadcast_in_dim3A_1566 : vector<16x1xi32> to vector<16xi32>
      %gather3A_1568 = tpu.dynamic_gather %select_n3A_310[%gather3A_1567] in [0] : vector<16xi32>, vector<16xi32> -> vector<16xi32>
      %lt3A_1569 = arith.constant 0 : i32
      %lt3A_1570 = vector.broadcast %lt3A_1569 : i32 to vector<16xi32>
      %lt3A_1571 = arith.cmpi slt, %shift_right_arithmetic3A_1552, %lt3A_1570 : vector<16xi32>
      %add3A_1572 = arith.constant 16 : i32
      %add3A_1573 = vector.broadcast %add3A_1572 : i32 to vector<16xi32>
      %add3A_1574 = arith.addi %shift_right_arithmetic3A_1552, %add3A_1573 : vector<16xi32>
      %select_n3A_1575 = arith.select %lt3A_1571, %add3A_1574, %shift_right_arithmetic3A_1552 : vector<16xi1>, vector<16xi32>
      %broadcast_in_dim3A_1576 = vector.shape_cast %select_n3A_1575 : vector<16xi32> to vector<16x1xi32>
      %gather3A_1577 = vector.shape_cast %broadcast_in_dim3A_1576 : vector<16x1xi32> to vector<16xi32>
      %gather3A_1578 = tpu.dynamic_gather %select_n3A_306[%gather3A_1577] in [0] : vector<16xi32>, vector<16xi32> -> vector<16xi32>
      %select_n3A_1579 = arith.select %eq3A_1558, %gather3A_1568, %gather3A_1578 : vector<16xi1>, vector<16xi32>
      %add3A_1580 = arith.constant 8 : i32
      %add3A_1581 = vector.broadcast %add3A_1580 : i32 to vector<16xi32>
      %add3A_1582 = arith.addi %add3A_1581, %shift_right_arithmetic3A_1552 : vector<16xi32>
      %lt3A_1583 = arith.constant 0 : i32
      %lt3A_1584 = vector.broadcast %lt3A_1583 : i32 to vector<16xi32>
      %lt3A_1585 = arith.cmpi slt, %add3A_1582, %lt3A_1584 : vector<16xi32>
      %add3A_1586 = arith.constant 16 : i32
      %add3A_1587 = vector.broadcast %add3A_1586 : i32 to vector<16xi32>
      %add3A_1588 = arith.addi %add3A_1582, %add3A_1587 : vector<16xi32>
      %select_n3A_1589 = arith.select %lt3A_1585, %add3A_1588, %add3A_1582 : vector<16xi1>, vector<16xi32>
      %broadcast_in_dim3A_1590 = vector.shape_cast %select_n3A_1589 : vector<16xi32> to vector<16x1xi32>
      %gather3A_1591 = vector.shape_cast %broadcast_in_dim3A_1590 : vector<16x1xi32> to vector<16xi32>
      %gather3A_1592 = tpu.dynamic_gather %select_n3A_310[%gather3A_1591] in [0] : vector<16xi32>, vector<16xi32> -> vector<16xi32>
      %add3A_1593 = arith.constant 8 : i32
      %add3A_1594 = vector.broadcast %add3A_1593 : i32 to vector<16xi32>
      %add3A_1595 = arith.addi %add3A_1594, %shift_right_arithmetic3A_1552 : vector<16xi32>
      %lt3A_1596 = arith.constant 0 : i32
      %lt3A_1597 = vector.broadcast %lt3A_1596 : i32 to vector<16xi32>
      %lt3A_1598 = arith.cmpi slt, %add3A_1595, %lt3A_1597 : vector<16xi32>
      %add3A_1599 = arith.constant 16 : i32
      %add3A_1600 = vector.broadcast %add3A_1599 : i32 to vector<16xi32>
      %add3A_1601 = arith.addi %add3A_1595, %add3A_1600 : vector<16xi32>
      %select_n3A_1602 = arith.select %lt3A_1598, %add3A_1601, %add3A_1595 : vector<16xi1>, vector<16xi32>
      %broadcast_in_dim3A_1603 = vector.shape_cast %select_n3A_1602 : vector<16xi32> to vector<16x1xi32>
      %gather3A_1604 = vector.shape_cast %broadcast_in_dim3A_1603 : vector<16x1xi32> to vector<16xi32>
      %gather3A_1605 = tpu.dynamic_gather %select_n3A_306[%gather3A_1604] in [0] : vector<16xi32>, vector<16xi32> -> vector<16xi32>
      %select_n3A_1606 = arith.select %eq3A_1558, %gather3A_1592, %gather3A_1605 : vector<16xi1>, vector<16xi32>
      %mul3A_1607 = arith.constant 2 : i32
      %mul3A_1608 = arith.muli %scan3A_17, %mul3A_1607 : i32
      %mul3A_1609 = arith.constant 16 : i32
      %mul3A_1610 = arith.muli %mul3A_1608, %mul3A_1609 : i32
      %swap3A_1611 = arith.index_cast %mul3A_1610 : i32 to index
      %swap3A_1612 = tpu.vector_load %arg7[%swap3A_1611] {strides = array<i32>} : memref<512xi32, #tpu.memory_space<vmem>>, vector<16xi32>,
      %swap3A_1613 = vector.shape_cast %swap3A_1612 : vector<16xi32> to vector<16xi32>
      %swap3A_1614 = vector.shape_cast %select_n3A_1579 : vector<16xi32> to vector<16xi32>
      tpu.vector_store %arg7[%swap3A_1611], %swap3A_1614 {strides = array<i32>} : memref<512xi32, #tpu.memory_space<vmem>>, vector<16xi32>,
      %mul3A_1615 = arith.constant 2 : i32
      %mul3A_1616 = arith.muli %scan3A_17, %mul3A_1615 : i32
      %add3A_1617 = arith.constant 1 : i32
      %add3A_1618 = arith.addi %mul3A_1616, %add3A_1617 : i32
      %mul3A_1619 = arith.constant 16 : i32
      %mul3A_1620 = arith.muli %add3A_1618, %mul3A_1619 : i32
      %swap3A_1621 = arith.index_cast %mul3A_1620 : i32 to index
      %swap3A_1622 = tpu.vector_load %arg7[%swap3A_1621] {strides = array<i32>} : memref<512xi32, #tpu.memory_space<vmem>>, vector<16xi32>,
      %swap3A_1623 = vector.shape_cast %swap3A_1622 : vector<16xi32> to vector<16xi32>
      %swap3A_1624 = vector.shape_cast %select_n3A_1606 : vector<16xi32> to vector<16xi32>
      tpu.vector_store %arg7[%swap3A_1621], %swap3A_1624 {strides = array<i32>} : memref<512xi32, #tpu.memory_space<vmem>>, vector<16xi32>,
    }
    %scan3A_6 = arith.constant 16 : i32
    %mul3A_7 = arith.constant 4096 : i32
    %mul3A_8 = arith.muli %add3A, %mul3A_7 : i32
    %dma_start3A = tpu.memref_slice %arg3[%mul3A_8] : memref<131072xf32, #tpu.memory_space<hbm>> -> memref<4096xf32, #tpu.memory_space<hbm>>
    %dma_start3A_9 = tpu.memref_slice %arg3[%mul3A_8] : memref<131072xf32, #tpu.memory_space<hbm>> -> memref<4096xf32, #tpu.memory_space<hbm>>
    tpu.enqueue_dma source(%arg6 : memref<4096xf32, #tpu.memory_space<vmem>>) target(%dma_start3A_9 : memref<4096xf32, #tpu.memory_space<hbm>>) target_semaphore(%arg8 : memref<!tpu.dma_semaphore, #tpu.memory_space<semaphore_mem>>)
    %mul3A_10 = arith.constant 512 : i32
    %mul3A_11 = arith.muli %add3A, %mul3A_10 : i32
    %dma_start3A_12 = tpu.memref_slice %arg4[%mul3A_11] : memref<16384xi32, #tpu.memory_space<hbm>> -> memref<512xi32, #tpu.memory_space<hbm>>
    %dma_start3A_13 = tpu.memref_slice %arg4[%mul3A_11] : memref<16384xi32, #tpu.memory_space<hbm>> -> memref<512xi32, #tpu.memory_space<hbm>>
    tpu.enqueue_dma source(%arg7 : memref<512xi32, #tpu.memory_space<vmem>>) target(%dma_start3A_13 : memref<512xi32, #tpu.memory_space<hbm>>) target_semaphore(%arg9 : memref<!tpu.dma_semaphore, #tpu.memory_space<semaphore_mem>>)
    %dma_wait3A = tpu.memref_slice %arg3[%mul3A_8] : memref<131072xf32, #tpu.memory_space<hbm>> -> memref<4096xf32, #tpu.memory_space<hbm>>
    %dma_wait3A_14 = tpu.memref_slice %arg3[%mul3A_8] : memref<131072xf32, #tpu.memory_space<hbm>> -> memref<4096xf32, #tpu.memory_space<hbm>>
    tpu.wait_dma2 semaphore(%arg8 : memref<!tpu.dma_semaphore, #tpu.memory_space<semaphore_mem>>) src(%arg6 : memref<4096xf32, #tpu.memory_space<vmem>>) dst(%dma_wait3A_14 : memref<4096xf32, #tpu.memory_space<hbm>>)
    %dma_wait3A_15 = tpu.memref_slice %arg4[%mul3A_11] : memref<16384xi32, #tpu.memory_space<hbm>> -> memref<512xi32, #tpu.memory_space<hbm>>
    %dma_wait3A_16 = tpu.memref_slice %arg4[%mul3A_11] : memref<16384xi32, #tpu.memory_space<hbm>> -> memref<512xi32, #tpu.memory_space<hbm>>
    tpu.wait_dma2 semaphore(%arg9 : memref<!tpu.dma_semaphore, #tpu.memory_space<semaphore_mem>>) src(%arg7 : memref<512xi32, #tpu.memory_space<vmem>>) dst(%dma_wait3A_16 : memref<512xi32, #tpu.memory_space<hbm>>)
    return
  }
}

module attributes {stable_mosaic.version = 14 : i64} {
  func.func @_logits_t_kernel(%arg0: i32, %arg1: memref<16x2048xf32, #tpu.memory_space<vmem>>, %arg2: memref<1024x2048xf32, #tpu.memory_space<vmem>>, %arg3: memref<16x1xf32, #tpu.memory_space<vmem>>, %arg4: memref<16x1024xf32, #tpu.memory_space<vmem>>) attributes {dimension_semantics = [#tpu.dimension_semantics<arbitrary>], iteration_bounds = array<i64: 8>, scalar_prefetch = 0 : i64, scratch_operands = 0 : i64, tpu.core_type = #tpu.core_type<tc>, window_params = [{pipeline_mode = #tpu.pipeline_mode<synchronous>, transform_indices = @transform_0, window_bounds = array<i64: 16, 2048>}, {transform_indices = @transform_1, window_bounds = array<i64: 1024, 2048>}, {pipeline_mode = #tpu.pipeline_mode<synchronous>, transform_indices = @transform_2, window_bounds = array<i64: 16, 1>}, {transform_indices = @transform_3, window_bounds = array<i64: 16, 1024>}]} {
    %get3A = arith.constant 0 : index
    %get3A_0 = arith.constant 0 : index
    %get3A_1 = vector.load %arg1[%get3A, %get3A_0] : memref<16x2048xf32, #tpu.memory_space<vmem>>, vector<16x2048xf32>
    %get3A_2 = arith.constant 0 : index
    %get3A_3 = arith.constant 0 : index
    %get3A_4 = vector.load %arg2[%get3A_2, %get3A_3] : memref<1024x2048xf32, #tpu.memory_space<vmem>>, vector<1024x2048xf32>
    %dot_general3A = arith.constant dense<0.000000e+00> : vector<16x1024xf32>
    %dot_general3A_5 = tpu.matmul %get3A_1, %get3A_4, %dot_general3A {dimension_numbers = #tpu.dot_dimension_numbers<[1], [1], [0], [0], [0, 0, 1, 0], [], []>, transpose_lhs_hint = false} : vector<16x2048xf32>, vector<1024x2048xf32>, vector<16x1024xf32> -> vector<16x1024xf32>
    %get3A_6 = arith.constant 0 : index
    %get3A_7 = arith.constant 0 : index
    %get3A_8 = vector.load %arg3[%get3A_6, %get3A_7] : memref<16x1xf32, #tpu.memory_space<vmem>>, vector<16x1xf32>
    %add3A = vector.broadcast %get3A_8 : vector<16x1xf32> to vector<16x1024xf32>
    %add3A_9 = arith.addf %dot_general3A_5, %add3A : vector<16x1024xf32>
    %swap3A = arith.constant 0 : index
    %swap3A_10 = arith.constant 0 : index
    %swap3A_11 = vector.load %arg4[%swap3A, %swap3A_10] : memref<16x1024xf32, #tpu.memory_space<vmem>>, vector<16x1024xf32>
    tpu.vector_store %arg4[%swap3A, %swap3A_10], %add3A_9 {strides = array<i32>} : memref<16x1024xf32, #tpu.memory_space<vmem>>, vector<16x1024xf32>,
    return
  }
  func.func @transform_0(%arg0: i32) -> (i32, i32) {
    %c0_i32 = arith.constant 0 : i32
    %c0_i32_0 = arith.constant 0 : i32
    %c0_i32_1 = arith.constant 0 : i32
    return %c0_i32, %c0_i32_0 : i32, i32
  }
  func.func @transform_1(%arg0: i32) -> (i32, i32) {
    %c0_i32 = arith.constant 0 : i32
    %c0_i32_0 = arith.constant 0 : i32
    return %arg0, %c0_i32 : i32, i32
  }
  func.func @transform_2(%arg0: i32) -> (i32, i32) {
    %c0_i32 = arith.constant 0 : i32
    %c0_i32_0 = arith.constant 0 : i32
    %c0_i32_1 = arith.constant 0 : i32
    return %c0_i32, %c0_i32_0 : i32, i32
  }
  func.func @transform_3(%arg0: i32) -> (i32, i32) {
    %c0_i32 = arith.constant 0 : i32
    %c0_i32_0 = arith.constant 0 : i32
    return %c0_i32, %arg0 : i32, i32
  }
}

</mosaic_0001>

<sc_bundles>
// kernel: kernel.4.cloned.1.call-start
scs
__scs_entry_jumppad:
0x0: {  	(pc) =	sbr.rel $0x88, $3  }
0x1: {  	(tag) =	ssettag $0x0;
	lr =	simm.s32 $0x1  }
0x2: {  	[smem:$0x3F9E] =	sst lr;
	_ =	strace $0xD0000000  }
0x3: {  	_ = 	snop  }
0x4: {  	_ = 	snop  }
0x5: {  	_ = 	snop  }
0x6: {  	_ = 	snop  }
0x7: {  	_ = 	snop  }
__scs_overlays_trampoline_lowered:
0x8: {  	[smem:$0x3FAD] =	sst s0  }
0x9: {  	[smem:$0x3FAE] =	sst s1  }
0xa: {  	[smem:$0x3FAF] =	sst s2  }
0xb: {  	[smem:$0x3FB0] =	sst s3  }
0xc: {  	[smem:$0x3FB1] =	sst s4  }
0xd: {  	[smem:$0x3FB2] =	sst s5  }
0xe: {  	[smem:$0x3FB3] =	sst s6  }
0xf: {  	[smem:$0x3FB4] =	sst s7  }
0x10: {  	[smem:$0x3FB5] =	sst s8  }
0x11: {  	[smem:$0x3FB6] =	sst s9;
	s0 =	simm.s32 @!p0 $0x0  }
0x12: {  	s1 =	sld [smem:$0x3F9C];
	s0 =	simm.s32 @p0 $0x1  }
0x13: {  	[smem:$0x3FB7] =	sst s0;
	s0 =	simm.s32 @!p1 $0x0  }
0x14: {  	s2 =	sld [smem:$0x3F9B];
	s0 =	simm.s32 @p1 $0x1  }
0x15: {  	[smem:$0x3FB8] =	sst s0;
	s0 =	simm.s32 @!p2 $0x0  }
0x16: {  	s3 =	sld [smem:$0x3FDB];
	s0 =	simm.s32 @p2 $0x1  }
0x17: {  	s4 =	simm.s32 $0x1BF5;
	[smem:$0x3FBA] =	sst s0  }
0x18: {  	s0 =	sld [smem:$0x3F9D];
	_ =	swait.ge [sflag:s4], $0x0  }
0x19: {  	s7 =	sld [smem:$0x3F9E]  }
0x1a: {  	s8 =	sadd.s32 $0xFFFFE003, lr  }
0x1b: {  	s9 =	sadd.s32 $0xFFFFFEF7, lr;
	s5 =	simm.s32 $0xFFFFFFFF;
	p2 =	slt.u32 s8, $0xFFFFF086  }
0x1c: {  	p1 =	slt.u32 s9, $0xF7A;
	s5 =	simm.s32 @!p2 $0x0  }
0x1d: {  	s5 =	simm.s32 @p1 $0x1;
	p0 =	seq.s32 s7, s2  }
0x1e: {  	s7 =	smul.u32 @!p0 $0xF7A, s2;
	p2 =	seq.s32 @!p0 s5, $0x0  }
0x1f: {  	s9 =	smul.u32 $0xF7A, s1;
	s8 =	simm.s32 @!p0 $0x1BF5;
	p2 =	por !p2, p0  }
0x20: {  	[sflag:s8] =	ssyncset.s32 @!p0 $0xFFFFF086;
	s6 =	sadd.s32 @!p0 s3, s7;
	s7 =	simm.s32 @!p0 $0x108  }
0x21: {  	s3 =	sadd.s32 s3, s9;
	s6 =	sadd.s32 @!p0 $0x88, s6;
	s7 =	simm.s32 @p2 $0x1082  }
0x22: {  	[simem:s7], [sflag:s8] =	dma.local @!p0 [hbm:s6], $0xF7A  }
0x23: {  	s9 =	sor.u32 $0xD0000000, s2;
	s6 =	simm.s32 $0x108;
	_ =	swait.ge @!p0 [sflag:s8], $0x0  }
0x24: {  	s3 =	sadd.s32 $0x88, s3;
	s6 =	simm.s32 @!p1 $0x1082;
	[sflag:s4] =	ssyncset.s32 $0xFFFFF086  }
0x25: {  	[simem:s6], [sflag:s4] =	dma.local [hbm:s3], $0xF7A  }
0x26: {  	[smem:$0x3F9E] =	sst s1;
	(tag) =	ssettag s2;
	_ =	strace s9  }
0x27: {  	s1 =	sld [smem:$0x3FAE]  }
0x28: {  	s2 =	sld [smem:$0x3FAF]  }
0x29: {  	s4 =	sld [smem:$0x3FB1]  }
0x2a: {  	p0 =	seq.s32 s5, $0x0;
	s5 =	sld [smem:$0x3FB2]  }
0x2b: {  	s6 =	sld [smem:$0x3FB3]  }
0x2c: {  	s7 =	sld [smem:$0x3FB4]  }
0x2d: {  	s3 =	simm.s32 $0x108;
	s8 =	sld [smem:$0x3FB5]  }
0x2e: {  	s3 =	simm.s32 @!p0 $0x1082;
	s9 =	sld [smem:$0x3FB6]  }
0x2f: {  	lr =	sadd.s32 s0, s3;
	s0 =	sld [smem:$0x3FAD]  }
0x30: {  	s3 =	sld [smem:$0x3FB0]  }
0x31: {  	[smem:$0x3FB9] =	sst s10  }
0x32: {  	s10 =	sld [smem:$0x3FB7];
	_ =	sdelay $0x3  }
0x33: {  	p0 =	seq.s32 s10, $0x1;
	s10 =	sld [smem:$0x3FB9];
	_ =	sdelay $0x3  }
0x34: {  	[smem:$0x3FB9] =	sst s10  }
0x35: {  	s10 =	sld [smem:$0x3FB8];
	_ =	sdelay $0x3  }
0x36: {  	p1 =	seq.s32 s10, $0x1;
	s10 =	sld [smem:$0x3FB9];
	_ =	sdelay $0x3  }
0x37: {  	[smem:$0x3FB9] =	sst s10  }
0x38: {  	s10 =	sld [smem:$0x3FBA]  }
0x39: {  	_ = 	snop;
	(pc) =	sbr.ind lr, $3  }
0x3a: {  	_ = 	snop  }
0x3b: {  	_ = 	snop  }
0x3c: {  	p2 =	seq.s32 s10, $0x1;
	s10 =	sld [smem:$0x3FB9]  }
0x3d: {  	_ =	shalt  }
0x3e: {  	_ =	shalt  }
0x3f: {  	_ =	shalt  }
0x40: {  	_ =	shalt  }
0x41: {  	_ =	shalt  }
0x42: {  	_ =	shalt  }
0x43: {  	_ =	shalt  }
0x44: {  	_ =	shalt  }
0x45: {  	_ =	shalt  }
0x46: {  	_ =	shalt  }
0x47: {  	_ =	shalt  }
0x48: {  	_ =	shalt  }
0x49: {  	_ =	shalt  }
0x4a: {  	_ =	shalt  }
0x4b: {  	_ =	shalt  }
0x4c: {  	_ =	shalt  }
0x4d: {  	_ =	shalt  }
0x4e: {  	_ =	shalt  }
0x4f: {  	_ =	shalt  }
0x50: {  	_ =	shalt  }
0x51: {  	_ =	shalt  }
0x52: {  	_ =	shalt  }
0x53: {  	_ =	shalt  }
0x54: {  	_ =	shalt  }
0x55: {  	_ =	shalt  }
0x56: {  	_ =	shalt  }
0x57: {  	_ =	shalt  }
0x58: {  	_ =	shalt  }
0x59: {  	_ =	shalt  }
0x5a: {  	_ =	shalt  }
0x5b: {  	_ =	shalt  }
0x5c: {  	_ =	shalt  }
0x5d: {  	_ =	shalt  }
0x5e: {  	_ =	shalt  }
0x5f: {  	_ =	shalt  }
0x60: {  	_ =	shalt  }
0x61: {  	_ =	shalt  }
0x62: {  	_ =	shalt  }
0x63: {  	_ =	shalt  }
0x64: {  	_ =	shalt  }
0x65: {  	_ =	shalt  }
0x66: {  	_ =	shalt  }
0x67: {  	_ =	shalt  }
0x68: {  	_ =	shalt  }
0x69: {  	_ =	shalt  }
0x6a: {  	_ =	shalt  }
0x6b: {  	_ =	shalt  }
0x6c: {  	_ =	shalt  }
0x6d: {  	_ =	shalt  }
0x6e: {  	_ =	shalt  }
0x6f: {  	_ =	shalt  }
0x70: {  	_ =	shalt  }
0x71: {  	_ =	shalt  }
0x72: {  	_ =	shalt  }
0x73: {  	_ =	shalt  }
0x74: {  	_ =	shalt  }
0x75: {  	_ =	shalt  }
0x76: {  	_ =	shalt  }
0x77: {  	_ =	shalt  }
0x78: {  	_ =	shalt  }
0x79: {  	_ =	shalt  }
0x7a: {  	_ =	shalt  }
0x7b: {  	_ =	shalt  }
0x7c: {  	_ =	shalt  }
0x7d: {  	_ =	shalt  }
0x7e: {  	_ =	shalt  }
0x7f: {  	_ =	shalt  }
0x80: {  	_ =	shalt  }
0x81: {  	_ =	shalt  }
0x82: {  	_ =	shalt  }
0x83: {  	_ =	shalt  }
0x84: {  	_ =	shalt  }
0x85: {  	_ =	shalt  }
0x86: {  	_ =	shalt  }
0x87: {  	_ =	shalt  }
.Lfunc_end0:
.L_simem_size_0:
called_computation_lowered:
.L_overlay_start_0:
0x88: {  	s2 =	sld [smem:$0x3FD9]  }
0x89: {  	s3 =	sld [smem:$0x3FFE];
	_ =	sdelay $0x1  }
0x8a: {  	s1 =	srdreg.scid  }
0x8b: {  	s0 =	sand.u32 $0x1, s1  }
0x8c: {  	s14 =	sshll.u32 s0, $0xA;
	s2 =	sadd.s32 s3, s2  }
0x8d: {  	s2 =	sadd.s32 s2, s14  }
0x8e: {  	[smem:$0x3FC5] =	sst s2  }
0x8f: {  	_ = 	snop  }
0x90: {  	s2 =	sld [smem:$0x3FD0];
	_ =	sdelay $0x2  }
0x91: {  	s15 =	simm.s32 $0xA;
	s4 =	simm.s32 $0x10  }
0x92: {  	[smem:s4], [sflag:s15] =	dma.local [hbm:s2], $0x1  }
0x93: {  	_ =	swait.eq [sflag:s15], $0x1  }
0x94: {  	[sflag:s15] =	ssyncset.done $0x0  }
0x95: {  	s16 =	sld [smem:$0x10];
	[sflag:s15] =	ssyncadd.s32 $0xFFFFFFFF  }
0x96: {  	s17 =	sld [smem:$0x11];
	(tm) =	ssettm $0x1  }
0x97: {  	s18 =	sld [smem:$0x3FFB];
	_ =	sdelay $0x3  }
0x98: {  	_ =	strace s18  }
0x99: {  	s4 =	sld [smem:$0x3FFC];
	_ =	sdelay $0x3  }
0x9a: {  	_ =	strace s4  }
0x9b: {  	s4 =	sld [smem:$0x3FFD];
	_ =	sdelay $0x3  }
0x9c: {  	_ =	strace s4  }
0x9d: {  	_ =	strace $0x8FFFFFFF  }
0x9e: {  	s19 =	sld [smem:$0x3FDB];
	_ =	sdelay $0x1  }
0x9f: {  	s5 =	simm.s32 $_scs_section_size  }
0xa0: {  	s6 =	simm.s32 $_size__tile_overlayer_lowered;
	s7 =	simm.s32 $_tile_overlayer_lowered  }
0xa1: {  	s22 =	simm.s32 $0x1BFF;
	s21 =	sshll.u32 s7, $0x1;
	s4 =	sadd.s32 s5, s19  }
0xa2: {  	s8 =	simm.s32 $0x0;
	s20 =	sshll.u32 s6, $0x1;
	s6 =	sadd.s32 s21, s4  }
0xa3: {  	[timem:s8], [sflag:s22] =	dma.local [hbm:s6], s20  }
0xa4: {  	_ =	swait.ge [sflag:s22], s20  }
0xa5: {  	s5 =	ssub.s32 $0x0, s20;
	[sflag:s22] =	ssyncset.done $0x0  }
0xa6: {  	[sflag:s22] =	ssyncadd.s32 s5;
	_ =	sdelay $0x1  }
0xa7: {  	s23 =	simm.s32 $0x1B8B  }
0xa8: {  	_ =	swait.ge [sflag:s23], $0x1  }
0xa9: {  	[sflag:s23] =	ssyncset.done $0x0  }
0xaa: {  	s25 =	simm.s32 $0x1B8E;
	s24 =	sld [smem:$0x3FFE];
	[sflag:s23] =	ssyncadd.s32 $0xFFFFFFFF  }
0xab: {  	s26 =	simm.s32 $execute0_lowered;
	[smem:$0x3FD2] =	sst s25  }
0xac: {  	s6 =	sshll.u32 s26, $0x1;
	_ =	strace $0x80000046;
	[dreg:$0x1] =	wrdreg $0xFFFFFFFF  }
0xad: {  	s28 =	simm.s32 $_size_execute0_lowered;
	s4 =	sadd.s32 s4, s6;
	[dreg:$0x0] =	wrdreg $0x0  }
0xae: {  	s6 =	sshll.u32 s28, $0x1;
	[dreg:$0x2] =	wrdreg s4  }
0xaf: {  	[dreg:$0x3] =	wrdreg s6  }
0xb0: {  	[dreg:$0x4] =	wrdreg $0xC0  }
0xb1: {  	_ =	task [dreg:s8], $0x5FFFF  }
0xb2: {  	[dreg:$0x1] =	wrdreg $0xFFFFFFFF  }
0xb3: {  	[dreg:$0x0] =	wrdreg $0x60  }
0xb4: {  	[dreg:$0x2] =	wrdreg s16  }
0xb5: {  	[dreg:$0x3] =	wrdreg s24  }
0xb6: {  	[dreg:$0x4] =	wrdreg s17  }
0xb7: {  	[dreg:$0x5] =	wrdreg $0x9  }
0xb8: {  	_ =	task.clear_ibuf [dreg:s8], $0x6FFFF;
	_ =	strace $0x90000046  }
0xb9: {  	s29 =	simm.s32 $0x9;
	_ =	strace $0x80000048  }
0xba: {  	_ =	swait.ge [sflag:s29], $0x1  }
0xbb: {  	[sflag:s29] =	ssyncadd.s32 $0xFFFFFFFF  }
0xbc: {  	_ =	strace $0x90000048  }
0xbd: {  	_ =	sfence  }
0xbe: {  	s30 =	sld [smem:$0x0];
	_ =	sdelay $0x2  }
0xbf: {  	s31 =	sshll.u32 s1, $0xD;
	s1 =	sshrl.u32 s1, $0x2  }
0xc0: {  	s3 =	sand.u32 $0x4000, s31;
	s1 =	sadd.s32 s1, s30  }
0xc1: {  	s0 =	sor.u32 s3, s0;
	s1 =	sshll.u32 s1, $0x11  }
0xc2: {  	s0 =	sor.u32 s1, s0  }
0xc3: {  	s0 =	sadd.s32 $0x8F2B, s0  }
0xc4: {  	[sflag:s0] =	ssyncadd.remote.s32 $0x1  }
0xc5: {  	_ =	sfence.sel $0xFFFF  }
0xc6: {  	[dreg:$0x0] =	wrdreg $0xFFFFFFFF;
	(pc) =	sbr.abs _section_cstart, $3  }
0xc7: {  	[dreg:$0x1] =	wrdreg $0xFFFFFFFF  }
0xc8: {  	_ =	task.clear_ibuf [dreg:s8], $0x2FFFF;
	_ =	strace $0x9FFFFFFF  }
0xc9: {  	(tm) =	ssettm $0x7FFFFFFF  }
tec
execute0_lowered:
.L_overlay_start_1:
0x0: {  	(tag) =	ssettag $0x1  }
0x1: {  	v0 =	vimm.s32 $0xEFCDAB89;
	v1 =	vimm.s32 $0x67452301  }
0x2: {  	vm0 =	vcmask $0xB08;
	vm1 =	vcmask $0x300;
	v2 =	vimm.s32 $0x54761032  }
0x3: {  	vm2 =	vcmask $0x1710;
	v4 =	vimm.s32 $0xBA98FEDC;
	v5 =	vimm.s32 $0x32107654  }
0x4: {  	vm4 =	vcmask $0x700;
	v7 =	vimm.s32 $0x0;
	v0 =	vunpack.c.l.s4.s8 v0  }
0x5: {  	v1 =	vunpack.c.l.s4.s8 v1;
	vm0 =	vmor vm1, vm0;
	vm1 =	vcmask $0x1310  }
0x6: {  	v2 =	vunpack.c.l.s4.s8 v2;
	v4 =	vunpack.c.l.s4.s8 v4;
	v5 =	vunpack.c.l.s4.s8 v5  }
0x7: {  	vm0 =	vmor vm0, vm1;
	vm1 =	vcmask $0x1B18;
	v0 =	vunpack.c.0.s8.s32 v0  }
0x8: {  	v1 =	vunpack.c.0.s8.s32 v1;
	vm0 =	vmor vm0, vm1;
	vm1 =	vcmask $0x2320  }
0x9: {  	v2 =	vunpack.c.0.s8.s32 v2;
	vm0 =	vmor vm0, vm1;
	vm1 =	vcmask $0x2B28  }
0xa: {  	v1 =	vcombine.low v1, v0;
	vm0 =	vmor vm0, vm1;
	v0 =	vimm.s32 $0xDCFE98BA  }
0xb: {  	vm1 =	vcmask $0x3330;
	v3 =	vunpack.c.l.s4.s8 v0;
	v0 =	vimm.s32 $0x0  }
0xc: {  	s3 =	rddreg [dreg:$0x0];
	vm0 =	vmor vm0, vm1;
	vm1 =	vcmask $0x3B38;
	v1 =	vand.u32 $0xF, v1  }
0xd: {  	s4 =	rddreg [dreg:$0x1];
	vm3 =	vmor vm0, vm1;
	vm0 =	vmor vm4, vm2;
	vm1 =	vcmask $0x2720  }
0xe: {  	s1 =	srdreg.scid;
	s0 =	stileid.u32;
	v3 =	vunpack.c.0.s8.s32 v3;
	vm0 =	vmor vm0, vm1;
	vm1 =	vcmask $0x3730  }
0xf: {  	s5 =	rddreg [dreg:$0x2];
	s2 =	simm.s32 $0x0;
	s9 =	simm.s32 $0x3;
	vm2 =	vmor vm0, vm1;
	vm0 =	vcmask $0x2F20;
	vm1 =	vcmask $0xF00  }
0x10: {  	s10 =	simm.s32 $0x1000;
	s11 =	simm.s32 $0x2000;
	s12 =	simm.s32 $0x1;
	v2 =	vcombine.low v2, v3;
	v3 =	vunpack.c.0.s8.s32 v4;
	v4 =	vunpack.c.0.s8.s32 v5  }
0x11: {  	s13 =	simm.s32 $0x2;
	s6 =	sand.u32 $0x1, s1;
	s1 =	rddreg [dreg:$0x3];
	v5 =	vimm.s32 $0xFEDCBA98;
	vm0 =	vmor vm1, vm0;
	v7 =	vsel vm2, $0xFFFFFFFF, v7  }
0x12: {  	s14 =	simm.s32 $0x0;
	s7 =	sshll.u32 s0, $0x1;
	[smem:$0x7FF] =	sst s2;
	v5 =	vunpack.c.l.s4.s8 v5;
	v3 =	vcombine.low v4, v3;
	v4 =	vimm.s32 $0x76543210  }
0x13: {  	s7 =	sor.u32 s6, s7;
	s6 =	ssub.s32 $0x2, s6;
	_ =	strace $0x80000047;
	vm1 =	vmmov $0xff;
	[tilespmem:$0x1FFD0] =	vst v7;
	v7 =	vimm.s32 $0x0;
	v4 =	vunpack.c.l.s4.s8 v4  }
0x14: {  	s8 =	sshll.u32 s7, $0x9;
	s30 =	sshrl.u32 s6, $0x1;
	s31 =	sshll.u32 s7, $0x8;
	v2 =	vand.u32 $0xF, v2;
	v7 =	vsel vm0, $0xFFFFFFFF, v7;
	v5 =	vunpack.c.0.s8.s32 v5  }
0x15: {  	s7 =	sshll.u32 s7, $0x6;
	s4 =	sadd.s32 s8, s4;
	s6 =	ssub.s32 s6, s30;
	[tilespmem:$0x1FFE0] =	vst v7;
	v7 =	vimm.s32 $0x0;
	v6 =	vunpack.c.0.s8.s32 v4;
	v4 =	vlaneseq.u32  }
0x16: {  	s3 =	sadd.s32 s3, s31;
	s5 =	sadd.s32 s5, s7;
	s7 =	simm.s32 $0x800;
	v7 =	vsel vm1, $0xFFFFFFFF, v7;
	v5 =	vand.u32 $0xF, v5;
	v4 =	vshrl.u32 v4, $0x1  }
0x17: {  	s8 =	simm.s32 $0x10000;
	s4 =	sadd.s32 $0xE00, s4;
	s6 =	smax.u32 s6, $0x1;
	v3 =	vand.u32 $0xF, v3;
	[tilespmem:$0x1FFF0] =	vst v7;
	v5 =	vcombine.low v5, v6;
	v6 =	vor.u32 $0x8, v4  }
.LBB2_1:
0x18: {  	[tilespmem:s2], [sflag:$0x3] =	stream.strided.gather [hbm4b:s3+s7], $0x1000, s8, s7, $0x38;
	[tilespmem:$0x2200] =	vst v63  }
0x19: {  	_ =	swait.ge [sflag:s9], $0x1000  }
0x1a: {  	s15 =	simm.s32 $0x1080;
	[sflag:s9] =	ssyncset.done $0x0  }
0x1b: {  	s16 =	simm.s32 $0x0;
	s17 =	simm.s32 $0x0;
	[sflag:s9] =	ssyncadd.s32 $0xFFFFF000  }
.LBB2_2:
0x1c: {  	s18 =	sand.u32 $0x70, s17;
	s19 =	sand.u32 $0x400, s16  }
0x1d: {  	s18 =	sor.u32 s18, s19  }
0x1e: {  	v7 =	vld [tilespmem:s18+$0x80]  }
0x1f: {  	v8 =	vld [tilespmem:s18+$0x0];
	_ =	sdelay $0x3  }
0x20: {  	v10 =	vimm.s32 $0x0;
	v62 =	vimm.s32 $0x0;
	v9 =	vld [tilespmem:s18+$0x100]  }
0x21: {  	vm0 =	vlt.f32 v7, $-Inf;
	vm1 =	vgt.f32 v7, $-Inf;
	vm2 =	vgt.f32 v7, v8  }
0x22: {  	v12 =	vimm.s32 $0x0;
	v10 =	vsel vm2, $0xFFFFFFFF, v10;
	vm0 =	vmor vm1, vm0  }
0x23: {  	vm1 =	vmneg vm2;
	[tilespmem:$0x1FEE0] =	vst v10;
	v10 =	vsel vm0, $0xFFFFFFFF, v62;
	v63 =	vnsel vm0, $0xFF800000, v7  }
0x24: {  	v11 =	vld [tilespmem:s18+$0x180];
	v12 =	vsel vm1, $0xFFFFFFFF, v12;
	[tilespmem:$0x1FEC0] =	vst v10;
	v10 =	vsel vm1, v63, v8  }
0x25: {  	v7 =	vsel vm1, v8, v7;
	v8 =	vimm.s32 $0x0;
	vm0 =	vgt.f32 v9, v10  }
0x26: {  	[tilespmem:$0x1FED0] =	vst v12;
	v8 =	vsel vm0, $0xFFFFFFFF, v8  }
0x27: {  	vm5 =	vgt.f32 v9, v7;
	v12 =	vld [tilespmem:s18+$0x200];
	[tilespmem:$0x1FEF0] =	vst v8;
	v8 =	vsel vm0, v9, v10  }
0x28: {  	v8 =	vsel vm5, v7, v8  }
0x29: {  	v7 =	vsel vm5, v9, v7;
	vm0 =	vgt.f32 v11, v8  }
0x2a: {  	v14 =	vld [tilespmem:s18+$0x280];
	vm6 =	vgt.f32 v11, v7;
	v8 =	vsel vm0, v11, v8  }
0x2b: {  	v13 =	vimm.s32 $0x0;
	v8 =	vsel vm6, v7, v8  }
0x2c: {  	v9 =	vsel vm0, $0xFFFFFFFF, v13;
	v7 =	vsel vm6, v11, v7;
	vm0 =	vgt.f32 v12, v8  }
0x2d: {  	v16 =	vld [tilespmem:s18+$0x300];
	vm9 =	vgt.f32 v12, v7;
	v8 =	vsel vm0, v12, v8  }
0x2e: {  	v15 =	vimm.s32 $0x0;
	s30 =	sor.u32 s16, s17;
	v8 =	vsel vm9, v7, v8  }
0x2f: {  	s19 =	sor.u32 $0x380, s30;
	v11 =	vsel vm0, $0xFFFFFFFF, v15;
	v7 =	vsel vm9, v12, v7;
	vm0 =	vgt.f32 v14, v8  }
0x30: {  	v18 =	vld [tilespmem:s19+$0x0];
	vm13 =	vgt.f32 v14, v7;
	v8 =	vsel vm0, v14, v8  }
0x31: {  	v17 =	vimm.s32 $0x0;
	v8 =	vsel vm13, v7, v8  }
0x32: {  	v10 =	vsel vm0, $0xFFFFFFFF, v17;
	v7 =	vsel vm13, v14, v7;
	vm0 =	vgt.f32 v16, v8  }
0x33: {  	v20 =	vld [tilespmem:s18+$0x800];
	vm15 =	vgt.f32 v16, v7;
	v8 =	vsel vm0, v16, v8  }
0x34: {  	v19 =	vimm.s32 $0x0;
	v8 =	vsel vm15, v7, v8  }
0x35: {  	[tilespmem:$0x1FF00] =	vst v9;
	v9 =	vsel vm0, $0xFFFFFFFF, v19;
	v7 =	vsel vm15, v16, v7;
	vm0 =	vgt.f32 v18, v8  }
0x36: {  	v22 =	vld [tilespmem:s18+$0x880];
	vm1 =	vgt.f32 v18, v7;
	v8 =	vsel vm0, v18, v8  }
0x37: {  	v21 =	vimm.s32 $0x0;
	v8 =	vsel vm1, v7, v8  }
0x38: {  	[tilespmem:$0x1FF10] =	vst v11;
	v11 =	vsel vm0, $0xFFFFFFFF, v21;
	v7 =	vsel vm1, v18, v7;
	vm0 =	vgt.f32 v20, v8  }
0x39: {  	v24 =	vld [tilespmem:s18+$0x900];
	vm7 =	vgt.f32 v20, v7;
	v8 =	vsel vm0, v20, v8  }
0x3a: {  	v23 =	vimm.s32 $0x0;
	v8 =	vsel vm7, v7, v8  }
0x3b: {  	[tilespmem:$0x1FF20] =	vst v10;
	v10 =	vsel vm0, $0xFFFFFFFF, v23;
	v7 =	vsel vm7, v20, v7;
	vm0 =	vgt.f32 v22, v8  }
0x3c: {  	v26 =	vld [tilespmem:s18+$0x980];
	vm11 =	vgt.f32 v22, v7;
	v8 =	vsel vm0, v22, v8  }
0x3d: {  	v25 =	vimm.s32 $0x0;
	v8 =	vsel vm11, v7, v8  }
0x3e: {  	[tilespmem:$0x1FF30] =	vst v9;
	v9 =	vsel vm0, $0xFFFFFFFF, v25;
	v7 =	vsel vm11, v22, v7;
	vm0 =	vgt.f32 v24, v8  }
0x3f: {  	v28 =	vld [tilespmem:s18+$0xA00];
	vm14 =	vgt.f32 v24, v7;
	v8 =	vsel vm0, v24, v8  }
0x40: {  	v27 =	vimm.s32 $0x0;
	v8 =	vsel vm14, v7, v8  }
0x41: {  	[tilespmem:$0x1FF40] =	vst v11;
	v11 =	vsel vm0, $0xFFFFFFFF, v27;
	v7 =	vsel vm14, v24, v7;
	vm0 =	vgt.f32 v26, v8  }
0x42: {  	v30 =	vld [tilespmem:s18+$0xA80];
	vm10 =	vgt.f32 v26, v7;
	v8 =	vsel vm0, v26, v8  }
0x43: {  	v29 =	vimm.s32 $0x0;
	v8 =	vsel vm10, v7, v8  }
0x44: {  	[tilespmem:$0x1FF50] =	vst v10;
	v10 =	vsel vm0, $0xFFFFFFFF, v29;
	v7 =	vsel vm10, v26, v7;
	vm0 =	vgt.f32 v28, v8  }
0x45: {  	v32 =	vld [tilespmem:s18+$0xB00];
	vm8 =	vgt.f32 v28, v7;
	v8 =	vsel vm0, v28, v8  }
0x46: {  	v31 =	vimm.s32 $0x0;
	v37 =	vld [tilespmem:$0x1FED0];
	v8 =	vsel vm8, v7, v8  }
0x47: {  	v36 =	vld [tilespmem:$0x1FEC0];
	[tilespmem:$0x1FF60] =	vst v9;
	v9 =	vsel vm0, $0xFFFFFFFF, v31;
	v7 =	vsel vm8, v28, v7;
	vm0 =	vgt.f32 v30, v8  }
0x48: {  	v33 =	vimm.s32 $0x0;
	v34 =	vld [tilespmem:s18+$0xB80];
	vm2 =	vgt.f32 v30, v7;
	v8 =	vsel vm0, v30, v8  }
0x49: {  	v35 =	vimm.s32 $0x0;
	v39 =	vimm.s32 $0x0;
	v40 =	vld [tilespmem:$0x1FEE0];
	v8 =	vsel vm2, v7, v8  }
0x4a: {  	[tilespmem:$0x1FF70] =	vst v11;
	v11 =	vsel vm0, $0xFFFFFFFF, v33;
	v7 =	vsel vm2, v30, v7;
	vm0 =	vgt.f32 v32, v8  }
0x4b: {  	v41 =	vld [tilespmem:$0x1FEF0];
	vm12 =	vnez.u8 v37;
	vm4 =	vgt.f32 v32, v7;
	v8 =	vsel vm0, v32, v8  }
0x4c: {  	[tilespmem:$0x1FF80] =	vst v10;
	v10 =	vsel vm0, $0xFFFFFFFF, v35;
	vm0 =	vnez.u8 v36;
	v8 =	vsel vm4, v7, v8  }
0x4d: {  	v42 =	vld [tilespmem:$0x1FF00];
	vm0 =	vmand vm12, vm0;
	v7 =	vsel vm4, v32, v7;
	vm12 =	vgt.f32 v34, v8  }
0x4e: {  	[tilespmem:$0x1FF90] =	vst v9;
	v38 =	vsel vm0, $0x1, v0;
	vm0 =	vnez.u8 v40;
	v9 =	vsel vm12, $0xFFFFFFFF, v39  }
0x4f: {  	v43 =	vld [tilespmem:$0x1FF10];
	v8 =	vsel vm12, v34, v8;
	vm12 =	vgt.f32 v34, v7;
	[tilespmem:$0x1FFC0] =	vst v9;
	v9 =	vsel vm0, $0x1, v0  }
0x50: {  	vm0 =	vmmov vm3;
	vm3 =	vnez.u8 v41;
	v8 =	vsel vm12, v7, v8  }
0x51: {  	v44 =	vld [tilespmem:$0x1FF20];
	[tilespmem:$0x1FFB0] =	vst v10;
	v7 =	vsel vm12, v34, v7;
	v10 =	vsel vm3, $0x2, v38;
	vm3 =	vmmov vm0  }
0x52: {  	v7 =	vsub.f32 v8, v7;
	vm0 =	vnez.u8 v42;
	v8 =	vsel vm5, v9, v10  }
0x53: {  	v45 =	vld [tilespmem:$0x1FF30];
	v9 =	vsel vm5, $0x2, v9;
	v8 =	vsel vm0, $0x3, v8  }
0x54: {  	v7 =	vmul.f32 $1.442695020e+00, v7;
	vm0 =	vnez.u8 v43;
	v8 =	vsel vm6, v9, v8  }
0x55: {  	v46 =	vld [tilespmem:$0x1FF40];
	v9 =	vsel vm6, $0x3, v9;
	v8 =	vsel vm0, $0x4, v8  }
0x56: {  	(erf) = vpow2.f32 v7;
	vm0 =	vnez.u8 v44;
	v7 =	vsel vm9, v9, v8  }
0x57: {  	v47 =	vld [tilespmem:$0x1FF50];
	v8 =	vsel vm9, $0x4, v9;
	v7 =	vsel vm0, $0x5, v7  }
0x58: {  	vm0 =	vnez.u8 v45;
	v7 =	vsel vm13, v8, v7  }
0x59: {  	v48 =	vld [tilespmem:$0x1FF60];
	v8 =	vsel vm13, $0x5, v8;
	v7 =	vsel vm0, $0x6, v7  }
0x5a: {  	vm0 =	vnez.u8 v46;
	v7 =	vsel vm15, v8, v7  }
0x5b: {  	v51 =	vld [tilespmem:$0x1FF70];
	v8 =	vsel vm15, $0x6, v8;
	v7 =	vsel vm0, $0x7, v7  }
0x5c: {  	vm0 =	vnez.u8 v47;
	v7 =	vsel vm1, v8, v7  }
0x5d: {  	v52 =	vld [tilespmem:$0x1FF80];
	v8 =	vsel vm1, $0x7, v8;
	v7 =	vsel vm0, $0x8, v7  }
0x5e: {  	vm0 =	vnez.u8 v48;
	v7 =	vsel vm7, v8, v7  }
0x5f: {  	v53 =	vld [tilespmem:$0x1FF90];
	v8 =	vsel vm7, $0x8, v8;
	v7 =	vsel vm0, $0x9, v7  }
0x60: {  	[tilespmem:$0x1FFA0] =	vst v11;
	v49 =	vpop (erf);
	vm0 =	vnez.u8 v51;
	v7 =	vsel vm11, v8, v7  }
0x61: {  	v54 =	vld [tilespmem:$0x1FFA0];
	v50 =	vadd.f32 $1.000000000e+00, v49;
	v8 =	vsel vm11, $0x9, v8;
	v7 =	vsel vm0, $0xA, v7  }
0x62: {  	vm0 =	vnez.u8 v52;
	v7 =	vsel vm14, v8, v7  }
0x63: {  	v55 =	vld [tilespmem:$0x1FFB0];
	(erf) = vrcp.f32 v50;
	v8 =	vsel vm14, $0xA, v8;
	v7 =	vsel vm0, $0xB, v7  }
0x64: {  	vm0 =	vnez.u8 v53;
	v7 =	vsel vm10, v8, v7  }
0x65: {  	v56 =	vld [tilespmem:$0x1FFC0];
	v8 =	vsel vm10, $0xB, v8;
	v7 =	vsel vm0, $0xC, v7  }
0x66: {  	vm0 =	vnez.u8 v54;
	v7 =	vsel vm8, v8, v7  }
0x67: {  	v8 =	vsel vm8, $0xC, v8;
	v7 =	vsel vm0, $0xD, v7  }
0x68: {  	vm0 =	vnez.u8 v55;
	v7 =	vsel vm2, v8, v7  }
0x69: {  	v8 =	vsel vm2, $0xD, v8;
	v7 =	vsel vm0, $0xE, v7  }
0x6a: {  	vm0 =	vnez.u8 v56;
	v7 =	vsel vm4, v8, v7  }
0x6b: {  	v8 =	vsel vm4, $0xE, v8;
	v7 =	vsel vm0, $0xF, v7  }
0x6c: {  	v57 =	vpop (erf);
	v7 =	vsel vm12, v8, v7  }
0x6d: {  	v9 =	vmul.f32 v57, v49;
	v8 =	vsel vm12, $0xF, v8;
	vm0 =	veq.s32 v7, $0x0  }
0x6e: {  	vm1 =	veq.s32 v8, $0x0;
	vm2 =	veq.s32 v7, $0x3;
	vm4 =	veq.s32 v7, $0x4  }
0x6f: {  	v58 =	vnsel vm0, $0x0, v9;
	vm0 =	veq.s32 v7, $0x1;
	v14 =	vnsel vm2, $0x0, v9  }
0x70: {  	vm2 =	veq.s32 v8, $0x4;
	v15 =	vnsel vm4, $0x0, v9;
	vm4 =	veq.s32 v7, $0xA  }
0x71: {  	v11 =	vsel vm1, v57, v58;
	vm1 =	veq.s32 v8, $0x1;
	v59 =	vnsel vm0, $0x0, v9  }
0x72: {  	vm0 =	veq.s32 v7, $0x2;
	v15 =	vsel vm2, v57, v15;
	vm2 =	veq.s32 v7, $0x6  }
0x73: {  	v21 =	vnsel vm4, $0x0, v9;
	v12 =	vsel vm1, v57, v59;
	vm1 =	veq.s32 v8, $0x2  }
0x74: {  	v13 =	vnsel vm0, $0x0, v9;
	vm0 =	veq.s32 v8, $0x3;
	v17 =	vnsel vm2, $0x0, v9  }
0x75: {  	vm2 =	veq.s32 v7, $0x9;
	v27 =	vperm.xlane v11, v1;
	v34 =	vperm.xlane v15, v1  }
0x76: {  	v13 =	vsel vm1, v57, v13;
	v14 =	vsel vm0, v57, v14;
	vm0 =	veq.s32 v8, $0x5  }
0x77: {  	v24 =	vld [tilespmem:$0x1FFD0];
	vm1 =	veq.s32 v7, $0x5;
	v20 =	vnsel vm2, $0x0, v9;
	vm2 =	veq.s32 v8, $0xA  }
0x78: {  	v61 =	vperm.xlane v12, v1;
	v16 =	vnsel vm1, $0x0, v9;
	vm1 =	veq.s32 v8, $0x6  }
0x79: {  	v21 =	vsel vm2, v57, v21;
	vm2 =	veq.s32 v7, $0xC;
	v63 =	vperm.xlane v14, v1  }
0x7a: {  	v28 =	vperm.xlane v13, v1;
	v12 =	vsel vm3, v27, v12;
	v16 =	vsel vm0, v57, v16  }
0x7b: {  	v17 =	vsel vm1, v57, v17;
	vm0 =	veq.s32 v7, $0x7;
	vm1 =	veq.s32 v8, $0x7  }
0x7c: {  	v23 =	vnsel vm2, $0x0, v9;
	vm2 =	vnez.u8 v24;
	v11 =	vsel vm3, v11, v61  }
0x7d: {  	v41 =	vperm.xlane v21, v1;
	v49 =	vperm.xlane v12, v2;
	v18 =	vnsel vm0, $0x0, v9  }
0x7e: {  	vm0 =	veq.s32 v7, $0x8;
	v32 =	vperm.xlane v16, v1;
	v10 =	vsel vm3, v13, v63  }
0x7f: {  	v33 =	vsel vm3, v28, v14;
	v36 =	vperm.xlane v17, v1;
	v14 =	vsel vm3, v34, v16  }
0x80: {  	v47 =	vperm.xlane v11, v2;
	v18 =	vsel vm1, v57, v18;
	vm1 =	veq.s32 v8, $0x8  }
0x81: {  	v19 =	vnsel vm0, $0x0, v9;
	vm0 =	veq.s32 v8, $0x9;
	v46 =	vperm.xlane v10, v2  }
0x82: {  	v48 =	vperm.xlane v33, v2;
	v13 =	vsel vm2, v49, v33;
	v53 =	vperm.xlane v14, v2  }
0x83: {  	v19 =	vsel vm1, v57, v19;
	v20 =	vsel vm0, v57, v20;
	vm0 =	veq.s32 v8, $0xB  }
0x84: {  	vm1 =	veq.s32 v7, $0xB;
	v15 =	vsel vm3, v15, v32;
	v35 =	vperm.xlane v18, v1  }
0x85: {  	v18 =	vsel vm3, v36, v18;
	v10 =	vsel vm2, v47, v10;
	v22 =	vnsel vm1, $0x0, v9  }
0x86: {  	vm1 =	veq.s32 v8, $0xC;
	v37 =	vperm.xlane v20, v1;
	v38 =	vperm.xlane v19, v1  }
0x87: {  	v11 =	vsel vm2, v11, v46;
	v51 =	vperm.xlane v15, v2;
	v12 =	vsel vm2, v12, v48  }
0x88: {  	v52 =	vperm.xlane v18, v2;
	v18 =	vsel vm2, v53, v18;
	v22 =	vsel vm0, v57, v22  }
0x89: {  	v23 =	vsel vm1, v57, v23;
	vm0 =	veq.s32 v7, $0xD;
	vm1 =	veq.s32 v8, $0xD  }
0x8a: {  	v17 =	vsel vm3, v17, v35;
	v63 =	vperm.xlane v11, v3;
	v33 =	vperm.xlane v12, v3  }
0x8b: {  	v60 =	vnsel vm0, $0x0, v9;
	vm0 =	veq.s32 v7, $0xE;
	v39 =	vperm.xlane v22, v1  }
0x8c: {  	v16 =	vsel vm3, v19, v37;
	v40 =	vsel vm3, v38, v20;
	v43 =	vperm.xlane v23, v1  }
0x8d: {  	v20 =	vsel vm3, v41, v22;
	v50 =	vperm.xlane v17, v2;
	v17 =	vsel vm2, v51, v17  }
0x8e: {  	v26 =	vld [tilespmem:$0x1FFF0];
	v14 =	vsel vm2, v14, v52;
	v24 =	vsel vm1, v57, v60;
	vm1 =	veq.s32 v8, $0xE  }
0x8f: {  	v25 =	vnsel vm0, $0x0, v9;
	v55 =	vperm.xlane v16, v2;
	v56 =	vperm.xlane v20, v2  }
0x90: {  	vm0 =	veq.s32 v8, $0xF;
	v32 =	vperm.xlane v14, v3;
	v34 =	vperm.xlane v17, v3  }
0x91: {  	v62 =	vld [tilespmem:$0x1FFE0];
	v25 =	vsel vm1, v57, v25;
	vm1 =	veq.s32 v7, $0xF;
	v21 =	vsel vm3, v21, v39  }
0x92: {  	v42 =	vperm.xlane v24, v1;
	v24 =	vsel vm3, v43, v24;
	v15 =	vsel vm2, v15, v50  }
0x93: {  	v43 =	vperm.xlane v18, v3;
	v9 =	vnsel vm1, $0x0, v9;
	vm1 =	vnez.u8 v26  }
0x94: {  	v45 =	vperm.xlane v25, v1;
	v54 =	vperm.xlane v21, v2;
	v21 =	vsel vm2, v55, v21  }
0x95: {  	v19 =	vsel vm2, v40, v56;
	v61 =	vperm.xlane v24, v2;
	v9 =	vsel vm0, v57, v9  }
0x96: {  	vm0 =	vnez.u8 v62;
	v57 =	vperm.xlane v40, v2;
	v62 =	vperm.xlane v15, v3  }
0x97: {  	v23 =	vsel vm3, v23, v42;
	v38 =	vperm.xlane v19, v3;
	v39 =	vperm.xlane v21, v3  }
0x98: {  	v44 =	vperm.xlane v9, v1;
	v9 =	vsel vm3, v45, v9;
	v16 =	vsel vm2, v16, v54  }
0x99: {  	v59 =	vperm.xlane v23, v2;
	v12 =	vsel vm0, v12, v32;
	v14 =	vsel vm0, v33, v14  }
0x9a: {  	v26 =	vsel vm0, v10, v34;
	v10 =	vperm.xlane v10, v3;
	v20 =	vsel vm2, v57, v20  }
0x9b: {  	v60 =	vperm.xlane v9, v2;
	v9 =	vsel vm2, v61, v9;
	v36 =	vperm.xlane v16, v3  }
0x9c: {  	v22 =	vsel vm3, v25, v44;
	v40 =	vperm.xlane v9, v3;
	v41 =	vperm.xlane v20, v3  }
0x9d: {  	v58 =	vperm.xlane v22, v2;
	v22 =	vsel vm2, v59, v22;
	v24 =	vsel vm2, v24, v60  }
0x9e: {  	v37 =	vperm.xlane v24, v3;
	v29 =	vperm.xlane v22, v3;
	v20 =	vsel vm0, v20, v40  }
0x9f: {  	v24 =	vsel vm0, v38, v24;
	v22 =	vsel vm0, v39, v22;
	v47 =	vperm.xlane v20, v5  }
0xa0: {  	v49 =	vperm.xlane v24, v5;
	v21 =	vsel vm0, v21, v29;
	v29 =	vsel vm0, v13, v43  }
0xa1: {  	v55 =	vperm.xlane v26, v5;
	v50 =	vperm.xlane v22, v5;
	v25 =	vsel vm1, v29, v47  }
0xa2: {  	v10 =	vsel vm0, v10, v17;
	v19 =	vsel vm0, v19, v37;
	v51 =	vsel vm1, v14, v49;
	[tilespmem:s15+$0xFFFFFFB0] =	vst v25  }
0xa3: {  	v9 =	vsel vm0, v41, v9;
	v44 =	vperm.xlane v19, v5;
	v53 =	vsel vm1, v10, v50;
	[tilespmem:s15+$0xFFFFFFD0] =	vst v51  }
0xa4: {  	v13 =	vperm.xlane v13, v3;
	v46 =	vperm.xlane v21, v5;
	v57 =	vsel vm1, v55, v21;
	[tilespmem:s15+$0xFFFFFFE0] =	vst v53  }
0xa5: {  	v23 =	vsel vm2, v23, v58;
	v52 =	vperm.xlane v9, v5;
	[tilespmem:s15+$0x20] =	vst v57;
	v27 =	vsel vm1, v12, v44  }
0xa6: {  	v56 =	vperm.xlane v29, v5;
	v13 =	vsel vm0, v13, v18;
	v28 =	vsel vm1, v26, v46;
	[tilespmem:s15+$0xFFFFFF90] =	vst v27  }
0xa7: {  	v35 =	vperm.xlane v23, v3;
	v14 =	vperm.xlane v14, v5;
	v54 =	vsel vm1, v13, v52;
	[tilespmem:s15+$0xFFFFFFA0] =	vst v28  }
0xa8: {  	v23 =	vsel vm0, v36, v23;
	v10 =	vperm.xlane v10, v5;
	v58 =	vsel vm1, v56, v20;
	[tilespmem:s15+$0xFFFFFFF0] =	vst v54  }
0xa9: {  	v48 =	vperm.xlane v23, v5;
	v16 =	vsel vm0, v16, v35;
	v60 =	vsel vm1, v14, v24;
	[tilespmem:s15+$0x30] =	vst v58  }
0xaa: {  	v15 =	vsel vm0, v63, v15;
	v42 =	vperm.xlane v16, v5;
	v10 =	vsel vm1, v10, v22;
	[tilespmem:s15+$0x50] =	vst v60  }
0xab: {  	v11 =	vsel vm0, v11, v62;
	v12 =	vperm.xlane v12, v5;
	v27 =	vsel vm1, v15, v48;
	[tilespmem:s15+$0x60] =	vst v10  }
0xac: {  	v13 =	vperm.xlane v13, v5;
	v45 =	vsel vm1, v11, v42;
	[tilespmem:s15+$0xFFFFFFC0] =	vst v27  }
0xad: {  	v15 =	vperm.xlane v15, v5;
	v12 =	vsel vm1, v12, v19;
	[tilespmem:s15+$0xFFFFFF80] =	vst v45  }
0xae: {  	p0 =	sne.s32 s17, $0xF0;
	v11 =	vperm.xlane v11, v5;
	v9 =	vsel vm1, v13, v9;
	[tilespmem:s15+$0x10] =	vst v12  }
.Ltmp0:
0xaf: {  	v61 =	vperm.xlane v8, v4;
	v62 =	vperm.xlane v7, v4;
	v59 =	vsel vm1, v15, v23;
	[tilespmem:s15+$0x70] =	vst v9;
	(pc) =	sbr.rel @p0 .LBB2_2-.Ltmp0, $4  }
0xb0: {  	v8 =	vperm.xlane v8, v6;
	v7 =	vperm.xlane v7, v6;
	v11 =	vsel vm1, v11, v16;
	[tilespmem:s15+$0x40] =	vst v59  }
0xb1: {  	s31 =	sshra.s32 s16, $0x2;
	v63 =	vsel vm3, v61, v62;
	[tilespmem:s15+$0x0] =	vst v11  }
0xb2: {  	v7 =	vsel vm3, v8, v7;
	[tilespmem:s31+$0x2000] =	vst v63  }
0xb3: {  	s16 =	sadd.s32 $0x80, s16;
	s17 =	sadd.s32 $0x10, s17;
	s15 =	sadd.s32 $0x100, s15;
	[tilespmem:s31+$0x2010] =	vst v7  }
0xb4: {  	[hbm4b:s4+s2] =	stream.linear.scatter [tilespmem:s10], [sflag:$0x1], $0x1000, $0x38;
	[tilespmem:$0x2200] =	vst v63  }
0xb5: {  	s14 =	sadd.s32 $0x1, s14  }
0xb6: {  	[hbm4b:s5+s2] =	stream.linear.scatter [tilespmem:s11], [sflag:$0x2], $0x200, $0x38;
	[tilespmem:$0x2200] =	vst v63  }
0xb7: {  	p0 =	sne.s32 s14, s6;
	_ =	swait.ge [sflag:s12], $0x1000  }
.Ltmp1:
0xb8: {  	[sflag:s12] =	ssyncset.done $0x0;
	(pc) =	sbr.rel @p0 .LBB2_1-.Ltmp1, $4  }
0xb9: {  	[sflag:s12] =	ssyncadd.s32 $0xFFFFF000  }
0xba: {  	_ =	swait.ge [sflag:s13], $0x200  }
0xbb: {  	[sflag:s13] =	ssyncset.done $0x0  }
0xbc: {  	[sflag:s13] =	ssyncadd.s32 $0xFFFFFE00  }
0xbd: {  	_ =	sfence.sel $0x180000  }
0xbe: {  	[bflag:$0x0] =	sbarrier.arrive $0xFFFF  }
0xbf: {  	p0 =	sne.s32 s0, $0x0;
	_ =	strace $0x90000047  }
0xc0: {  	s0 =	sadd.s32 @!p0 $0x100000, s1;
	[bflag:$0x2] =	sbarrier.arrive $0xFFFF  }
0xc1: {  	[sflag:s0] =	ssyncadd.tile.s32 @!p0 $0x1;
	_ =	shalt  }
.Lfunc_end2:
_tile_overlayer_lowered:
.L_overlay_start_2:
0xc2: {  	(tag) =	ssettag $0x2  }
0xc3: {  	s0 =	rddreg [dreg:$0x0];
	s2 =	stileid.u32  }
0xc4: {  	s1 =	rddreg [dreg:$0x1];
	p0 =	sne.s32 s2, $0x0  }
0xc5: {  	s3 =	rddreg [dreg:$0x2];
	[bflag:$0x3] =	sbarrier.arrive $0xFFFF;
	s2 =	simm.s32 @!p0 $0x1C03  }
0xc6: {  	[timem:s3], [sflag:s2] =	dma.local @!p0 [hbm:s0], s1  }
0xc7: {  	s0 =	simm.s32 @!p0 $0x3  }
0xc8: {  	_ =	swait.ge @!p0 [sflag:s0], s1  }
0xc9: {  	s1 =	ssub.s32 @!p0 $0x0, s1;
	[sflag:s0] =	ssyncset.done @!p0 $0x0  }
0xca: {  	[sflag:s0] =	ssyncadd.s32 @!p0 s1  }
0xcb: {  	[bflag:$0x3] =	sbarrier.arrive $0xFFFF  }
0xcc: {  	_ =	shalt  }

</sc_bundles>
